<compile_context>
chip_gen: v7x
topology: tpu7x:2x2x1
jax: 0.10.2.dev20260603
libtpu: 0.0.44.dev20260713+nightly
codegen_flags: <defaults>
</compile_context>

<pallas_src>
import functools

import jax
import jax.numpy as jnp
from jax import lax
from jax.experimental import pallas as pl
from jax.experimental.pallas import tpu as pltpu
from jax.experimental.pallas import tpu_sc as plsc

C = 768
H = 32
W = 32
HW = H * W
N = 18

NUM_CORES = 2
NUM_SUBCORES = 16
NW = NUM_CORES * NUM_SUBCORES
PPW = HW // NW
LANES = 16
CHUNKS = C // LANES

N_PIECES = 4
ROWS_PER_PIECE = PPW // N_PIECES


def _accum_piece(buf, pv, piece, first):
    r0 = piece * ROWS_PER_PIECE

    def body(k, carry):
        off = k * LANES
        vals = [buf[r0 + p, pl.ds(off, LANES)] for p in range(ROWS_PER_PIECE)]
        while len(vals) > 1:
            vals = [vals[i] + vals[i + 1] for i in range(0, len(vals), 2)]
        if first:
            pv[pl.ds(off, LANES)] = vals[0]
        else:
            plsc.addupdate(pv.at[pl.ds(off, LANES)], vals[0])
        return carry

    lax.fori_loop(0, CHUNKS, body, 0, unroll=2)


@functools.partial(
    pl.kernel,
    out_type=jax.ShapeDtypeStruct((NW * C,), jnp.float32),
    mesh=plsc.VectorSubcoreMesh(core_axis_name="c", subcore_axis_name="s"),
    scratch_types=[
        pltpu.VMEM((PPW, C), jnp.float32),
        pltpu.VMEM((C,), jnp.float32),
        pltpu.SemaphoreType.DMA,
    ],
)
def _sc_pool(x_hbm, out_hbm, xv, pv, sem):
    w = lax.axis_index("s") * NUM_CORES + lax.axis_index("c")
    p0 = w * PPW
    hs = []
    for piece in range(N_PIECES):
        r = piece * ROWS_PER_PIECE
        hs.append(pltpu.async_copy(
            x_hbm.at[pl.ds(p0 + r, ROWS_PER_PIECE), :],
            xv.at[pl.ds(r, ROWS_PER_PIECE), :], sem))
    for piece in range(N_PIECES):
        hs[piece].wait()
        _accum_piece(xv, pv, piece, piece == 0)
    pltpu.sync_copy(pv, out_hbm.at[pl.ds(w * C, C)])


_TC_BLK = 256
_TC_STEPS = HW // _TC_BLK


def _tc_pool_body(c_ref, out_ref):
    i = pl.program_id(0)
    s = jnp.sum(c_ref[...], axis=0, keepdims=True)

    @pl.when(i == 0)
    def _init():
        out_ref[...] = s

    @pl.when(i > 0)
    def _acc():
        out_ref[...] += s


_tc_pool = pl.pallas_call(
    _tc_pool_body,
    grid=(_TC_STEPS,),
    in_specs=[pl.BlockSpec((_TC_BLK, C), lambda i: (i, 0))],
    out_specs=pl.BlockSpec((1, C), lambda i: (0, 0)),
    out_shape=jax.ShapeDtypeStruct((1, C), jnp.float32),
)


def _sum_parts(parts_ref):
    acc = parts_ref[pl.ds(0, C)]
    for i in range(1, NW):
        acc = acc + parts_ref[pl.ds(i * C, C)]
    return acc


def _tc_graph_body(nidx_ref, parts_ref, fcs_ref, mem_ref, img_ref, adj_ref):
    inv = jnp.float32(1.0 / HW)
    fx = jnp.reshape(_sum_parts(parts_ref) * inv, (1, C))
    fc = fcs_ref[...] * inv
    m = mem_ref[...]
    rows = lax.broadcasted_iota(jnp.int32, (N, 1), 0)
    m = jnp.where(rows == nidx_ref[0], fx, m)
    m = jnp.where(rows == nidx_ref[1], fc, m)
    ss = jnp.sum(m * m, axis=1, keepdims=True)
    nrm = m / (jnp.sqrt(ss) + 1e-8)
    adj = lax.dot_general(nrm, nrm, (((1,), (1,)), ((), ())),
                          preferred_element_type=jnp.float32)
    adj_ref[...] = adj[None]
    img_ref[...] = jnp.sum(m, axis=0, keepdims=True) * jnp.float32(1.0 / N)


_tc_graph = pl.pallas_call(
    _tc_graph_body,
    out_shape=(
        jax.ShapeDtypeStruct((1, C), jnp.float32),
        jax.ShapeDtypeStruct((1, N, N), jnp.float32),
    ),
    in_specs=[
        pl.BlockSpec(memory_space=pltpu.SMEM),
        pl.BlockSpec(memory_space=pltpu.VMEM),
        pl.BlockSpec(memory_space=pltpu.VMEM),
        pl.BlockSpec(memory_space=pltpu.VMEM),
    ],
    out_specs=(
        pl.BlockSpec(memory_space=pltpu.VMEM),
        pl.BlockSpec(memory_space=pltpu.VMEM),
    ),
)


def kernel(x, conds, mem, node_idx):
    xt = x.transpose(1, 2, 0).reshape(HW, C)
    ct = conds.transpose(1, 2, 0).reshape(HW, C)
    parts = _sc_pool(xt)
    fc_sum = _tc_pool(ct)
    img_feature, adjacency = _tc_graph(node_idx, parts, fc_sum, mem)
    return (img_feature, adjacency)

# --- scband reference (transcript-rebuilt; emitter-appended) ---
"""Pipeline reference for scband-image-graph-net-6493990551884 (READ-ONLY COPY).

The authoritative reference and input builder live on the scoring server;
editing this copy changes nothing except your own understanding.
"""

import jax, jax.numpy as jnp
import numpy as np

MAX_NODES = 18
C = 768
H = 32
W = 32


def setup_inputs(seed: int = 0) -> dict:
    key = jax.random.key(seed)
    k1, k2, k3 = jax.random.split(key, 3)
    x = jax.random.normal(k1, (C, H, W), dtype=jnp.float32)
    conds = jax.random.normal(k2, (C, H, W), dtype=jnp.float32)
    # Persistent node-feature memory of the ImageGraph (learned/state buffer),
    # sized [max_nodes, C] per init_kwargs max_nodes=18.
    mem = jax.random.normal(k3, (MAX_NODES, C), dtype=jnp.float32) * 0.02
    # img_num starts at 0: x goes to slot 0 ('img_0'), conds to slot 1 ('img_1').
    node_idx = jnp.arange(2, dtype=jnp.int32)
    return {"x": x, "conds": conds, "mem": mem, "node_idx": node_idx}


def reference(x, conds, mem, node_idx):
    # ImageGraph.add_image: pool the image feature map to a node embedding
    # and scatter-overwrite it into the node memory at the named slot.
    fx = jnp.mean(x, axis=(1, 2))        # [C]
    fc = jnp.mean(conds, axis=(1, 2))    # [C]
    mem = mem.at[node_idx[0]].set(fx)    # scatter-overwrite slot for x_name
    mem = mem.at[node_idx[1]].set(fc)    # scatter-overwrite slot for conds_name
    # get_adjacency_matrix: cosine-similarity graph over all stored nodes.
    nrm = mem / (jnp.linalg.norm(mem, axis=1, keepdims=True) + 1e-8)
    adjacency_matrix = nrm @ nrm.T                     # [max_nodes, max_nodes]
    # get_global_img_feature: mean over all node embeddings.
    img_feature = jnp.mean(mem, axis=0)                # [C]
    img_feature = img_feature[None, :]                 # unsqueeze(0) -> [1, C]
    adjacency_matrix = adjacency_matrix[None, :, :]    # unsqueeze(0) -> [1, N, N]
    return (img_feature, adjacency_matrix)

if __name__ == "__main__":
    import jax
    _d = setup_inputs()
    print(jax.jit(kernel)(*tuple(_d.values())))

</pallas_src>

<mosaic_0001>
#map = affine_map<(d0, d1) -> (0, 0)>
#map1 = affine_map<(d0, d1) -> (0)>
module attributes {stable_mosaic.version = 14 : i64} {
  func.func @_sc_pool(%arg0: i32, %arg1: i32, %arg2: memref<1024x768xf32, #tpu.memory_space<hbm>>, %arg3: memref<24576xf32, #tpu.memory_space<hbm>>, %arg4: memref<32x768xf32, #tpu.memory_space<vmem>>, %arg5: memref<768xf32, #tpu.memory_space<vmem>>, %arg6: memref<!tpu.dma_semaphore, #tpu.memory_space<semaphore_mem>>) attributes {dimension_semantics = [#tpu.dimension_semantics<core_parallel>, #tpu.dimension_semantics<subcore_parallel>], iteration_bounds = array<i64: 2, 16>, scalar_prefetch = 0 : i64, scratch_operands = 3 : i64, tpu.core_type = #tpu.core_type<sc_vector_subcore>, window_params = [{transform_indices = #map}, {transform_indices = #map1}]} {
    %mul3A = arith.constant 2 : i32
    %mul3A_0 = arith.muli %arg1, %mul3A : i32
    %add3A = arith.addi %mul3A_0, %arg0 : i32
    %mul3A_1 = arith.constant 32 : i32
    %mul3A_2 = arith.muli %add3A, %mul3A_1 : i32
    %add3A_3 = arith.constant 0 : i32
    %add3A_4 = arith.addi %mul3A_2, %add3A_3 : i32
    %dma_start3A = arith.constant 0 : i32
    %dma_start3A_5 = arith.constant 0 : i32
    %dma_start3A_6 = tpu.memref_slice %arg4[%dma_start3A, %dma_start3A_5] : memref<32x768xf32, #tpu.memory_space<vmem>> -> memref<8x768xf32, #tpu.memory_space<vmem>>
    %dma_start3A_7 = arith.constant 0 : i32
    %dma_start3A_8 = tpu.memref_slice %arg2[%add3A_4, %dma_start3A_7] : memref<1024x768xf32, #tpu.memory_space<hbm>> -> memref<8x768xf32, #tpu.memory_space<hbm>>
    %dma_start3A_9 = arith.constant 0 : i32
    %dma_start3A_10 = arith.constant 0 : i32
    %dma_start3A_11 = tpu.memref_slice %arg4[%dma_start3A_9, %dma_start3A_10] : memref<32x768xf32, #tpu.memory_space<vmem>> -> memref<8x768xf32, #tpu.memory_space<vmem>>
    %dma_start3A_12 = arith.constant 0 : i32
    %dma_start3A_13 = tpu.memref_slice %arg2[%add3A_4, %dma_start3A_12] : memref<1024x768xf32, #tpu.memory_space<hbm>> -> memref<8x768xf32, #tpu.memory_space<hbm>>
    tpu.enqueue_dma source(%dma_start3A_13 : memref<8x768xf32, #tpu.memory_space<hbm>>) target(%dma_start3A_11 : memref<8x768xf32, #tpu.memory_space<vmem>>) target_semaphore(%arg6 : memref<!tpu.dma_semaphore, #tpu.memory_space<semaphore_mem>>)
    %add3A_14 = arith.constant 8 : i32
    %add3A_15 = arith.addi %mul3A_2, %add3A_14 : i32
    %dma_start3A_16 = arith.constant 8 : i32
    %dma_start3A_17 = arith.constant 0 : i32
    %dma_start3A_18 = tpu.memref_slice %arg4[%dma_start3A_16, %dma_start3A_17] : memref<32x768xf32, #tpu.memory_space<vmem>> -> memref<8x768xf32, #tpu.memory_space<vmem>>
    %dma_start3A_19 = arith.constant 0 : i32
    %dma_start3A_20 = tpu.memref_slice %arg2[%add3A_15, %dma_start3A_19] : memref<1024x768xf32, #tpu.memory_space<hbm>> -> memref<8x768xf32, #tpu.memory_space<hbm>>
    %dma_start3A_21 = arith.constant 8 : i32
    %dma_start3A_22 = arith.constant 0 : i32
    %dma_start3A_23 = tpu.memref_slice %arg4[%dma_start3A_21, %dma_start3A_22] : memref<32x768xf32, #tpu.memory_space<vmem>> -> memref<8x768xf32, #tpu.memory_space<vmem>>
    %dma_start3A_24 = arith.constant 0 : i32
    %dma_start3A_25 = tpu.memref_slice %arg2[%add3A_15, %dma_start3A_24] : memref<1024x768xf32, #tpu.memory_space<hbm>> -> memref<8x768xf32, #tpu.memory_space<hbm>>
    tpu.enqueue_dma source(%dma_start3A_25 : memref<8x768xf32, #tpu.memory_space<hbm>>) target(%dma_start3A_23 : memref<8x768xf32, #tpu.memory_space<vmem>>) target_semaphore(%arg6 : memref<!tpu.dma_semaphore, #tpu.memory_space<semaphore_mem>>)
    %add3A_26 = arith.constant 16 : i32
    %add3A_27 = arith.addi %mul3A_2, %add3A_26 : i32
    %dma_start3A_28 = arith.constant 16 : i32
    %dma_start3A_29 = arith.constant 0 : i32
    %dma_start3A_30 = tpu.memref_slice %arg4[%dma_start3A_28, %dma_start3A_29] : memref<32x768xf32, #tpu.memory_space<vmem>> -> memref<8x768xf32, #tpu.memory_space<vmem>>
    %dma_start3A_31 = arith.constant 0 : i32
    %dma_start3A_32 = tpu.memref_slice %arg2[%add3A_27, %dma_start3A_31] : memref<1024x768xf32, #tpu.memory_space<hbm>> -> memref<8x768xf32, #tpu.memory_space<hbm>>
    %dma_start3A_33 = arith.constant 16 : i32
    %dma_start3A_34 = arith.constant 0 : i32
    %dma_start3A_35 = tpu.memref_slice %arg4[%dma_start3A_33, %dma_start3A_34] : memref<32x768xf32, #tpu.memory_space<vmem>> -> memref<8x768xf32, #tpu.memory_space<vmem>>
    %dma_start3A_36 = arith.constant 0 : i32
    %dma_start3A_37 = tpu.memref_slice %arg2[%add3A_27, %dma_start3A_36] : memref<1024x768xf32, #tpu.memory_space<hbm>> -> memref<8x768xf32, #tpu.memory_space<hbm>>
    tpu.enqueue_dma source(%dma_start3A_37 : memref<8x768xf32, #tpu.memory_space<hbm>>) target(%dma_start3A_35 : memref<8x768xf32, #tpu.memory_space<vmem>>) target_semaphore(%arg6 : memref<!tpu.dma_semaphore, #tpu.memory_space<semaphore_mem>>)
    %add3A_38 = arith.constant 24 : i32
    %add3A_39 = arith.addi %mul3A_2, %add3A_38 : i32
    %dma_start3A_40 = arith.constant 24 : i32
    %dma_start3A_41 = arith.constant 0 : i32
    %dma_start3A_42 = tpu.memref_slice %arg4[%dma_start3A_40, %dma_start3A_41] : memref<32x768xf32, #tpu.memory_space<vmem>> -> memref<8x768xf32, #tpu.memory_space<vmem>>
    %dma_start3A_43 = arith.constant 0 : i32
    %dma_start3A_44 = tpu.memref_slice %arg2[%add3A_39, %dma_start3A_43] : memref<1024x768xf32, #tpu.memory_space<hbm>> -> memref<8x768xf32, #tpu.memory_space<hbm>>
    %dma_start3A_45 = arith.constant 24 : i32
    %dma_start3A_46 = arith.constant 0 : i32
    %dma_start3A_47 = tpu.memref_slice %arg4[%dma_start3A_45, %dma_start3A_46] : memref<32x768xf32, #tpu.memory_space<vmem>> -> memref<8x768xf32, #tpu.memory_space<vmem>>
    %dma_start3A_48 = arith.constant 0 : i32
    %dma_start3A_49 = tpu.memref_slice %arg2[%add3A_39, %dma_start3A_48] : memref<1024x768xf32, #tpu.memory_space<hbm>> -> memref<8x768xf32, #tpu.memory_space<hbm>>
    tpu.enqueue_dma source(%dma_start3A_49 : memref<8x768xf32, #tpu.memory_space<hbm>>) target(%dma_start3A_47 : memref<8x768xf32, #tpu.memory_space<vmem>>) target_semaphore(%arg6 : memref<!tpu.dma_semaphore, #tpu.memory_space<semaphore_mem>>)
    %dma_wait3A = arith.constant 0 : i32
    %dma_wait3A_50 = arith.constant 0 : i32
    %dma_wait3A_51 = tpu.memref_slice %arg4[%dma_wait3A, %dma_wait3A_50] : memref<32x768xf32, #tpu.memory_space<vmem>> -> memref<8x768xf32, #tpu.memory_space<vmem>>
    %dma_wait3A_52 = arith.constant 0 : i32
    %dma_wait3A_53 = tpu.memref_slice %arg2[%add3A_4, %dma_wait3A_52] : memref<1024x768xf32, #tpu.memory_space<hbm>> -> memref<8x768xf32, #tpu.memory_space<hbm>>
    %dma_wait3A_54 = arith.constant 0 : i32
    %dma_wait3A_55 = arith.constant 0 : i32
    %dma_wait3A_56 = tpu.memref_slice %arg4[%dma_wait3A_54, %dma_wait3A_55] : memref<32x768xf32, #tpu.memory_space<vmem>> -> memref<8x768xf32, #tpu.memory_space<vmem>>
    %dma_wait3A_57 = arith.constant 0 : i32
    %dma_wait3A_58 = tpu.memref_slice %arg2[%add3A_4, %dma_wait3A_57] : memref<1024x768xf32, #tpu.memory_space<hbm>> -> memref<8x768xf32, #tpu.memory_space<hbm>>
    tpu.wait_dma2 semaphore(%arg6 : memref<!tpu.dma_semaphore, #tpu.memory_space<semaphore_mem>>) src(%dma_wait3A_58 : memref<8x768xf32, #tpu.memory_space<hbm>>) dst(%dma_wait3A_56 : memref<8x768xf32, #tpu.memory_space<vmem>>)
    %scan3A = arith.constant 0 : i32
    %scan3A_59 = arith.constant 0 : i32
    %scan3A_60 = arith.constant 48 : i32
    %scan3A_61 = arith.addi %scan3A_59, %scan3A_60 : i32
    %scan3A_62 = arith.constant 2 : i32
    scf.for %scan3A_114 = %scan3A_59 to %scan3A_61 step %scan3A_62  : i32 {
      %mul3A_115 = arith.constant 16 : i32
      %mul3A_116 = arith.muli %scan3A_114, %mul3A_115 : i32
      %get3A = arith.constant 0 : i32
      %get3A_117 = arith.index_cast %get3A : i32 to index
      %get3A_118 = arith.index_cast %mul3A_116 : i32 to index
      %get3A_119 = tpu.vector_load %arg4[%get3A_117, %get3A_118] {strides = array<i32>} : memref<32x768xf32, #tpu.memory_space<vmem>>, vector<1x16xf32>,
      %get3A_120 = vector.shape_cast %get3A_119 : vector<1x16xf32> to vector<16xf32>
      %get3A_121 = arith.constant 1 : i32
      %get3A_122 = arith.index_cast %get3A_121 : i32 to index
      %get3A_123 = arith.index_cast %mul3A_116 : i32 to index
      %get3A_124 = tpu.vector_load %arg4[%get3A_122, %get3A_123] {strides = array<i32>} : memref<32x768xf32, #tpu.memory_space<vmem>>, vector<1x16xf32>,
      %get3A_125 = vector.shape_cast %get3A_124 : vector<1x16xf32> to vector<16xf32>
      %get3A_126 = arith.constant 2 : i32
      %get3A_127 = arith.index_cast %get3A_126 : i32 to index
      %get3A_128 = arith.index_cast %mul3A_116 : i32 to index
      %get3A_129 = tpu.vector_load %arg4[%get3A_127, %get3A_128] {strides = array<i32>} : memref<32x768xf32, #tpu.memory_space<vmem>>, vector<1x16xf32>,
      %get3A_130 = vector.shape_cast %get3A_129 : vector<1x16xf32> to vector<16xf32>
      %get3A_131 = arith.constant 3 : i32
      %get3A_132 = arith.index_cast %get3A_131 : i32 to index
      %get3A_133 = arith.index_cast %mul3A_116 : i32 to index
      %get3A_134 = tpu.vector_load %arg4[%get3A_132, %get3A_133] {strides = array<i32>} : memref<32x768xf32, #tpu.memory_space<vmem>>, vector<1x16xf32>,
      %get3A_135 = vector.shape_cast %get3A_134 : vector<1x16xf32> to vector<16xf32>
      %get3A_136 = arith.constant 4 : i32
      %get3A_137 = arith.index_cast %get3A_136 : i32 to index
      %get3A_138 = arith.index_cast %mul3A_116 : i32 to index
      %get3A_139 = tpu.vector_load %arg4[%get3A_137, %get3A_138] {strides = array<i32>} : memref<32x768xf32, #tpu.memory_space<vmem>>, vector<1x16xf32>,
      %get3A_140 = vector.shape_cast %get3A_139 : vector<1x16xf32> to vector<16xf32>
      %get3A_141 = arith.constant 5 : i32
      %get3A_142 = arith.index_cast %get3A_141 : i32 to index
      %get3A_143 = arith.index_cast %mul3A_116 : i32 to index
      %get3A_144 = tpu.vector_load %arg4[%get3A_142, %get3A_143] {strides = array<i32>} : memref<32x768xf32, #tpu.memory_space<vmem>>, vector<1x16xf32>,
      %get3A_145 = vector.shape_cast %get3A_144 : vector<1x16xf32> to vector<16xf32>
      %get3A_146 = arith.constant 6 : i32
      %get3A_147 = arith.index_cast %get3A_146 : i32 to index
      %get3A_148 = arith.index_cast %mul3A_116 : i32 to index
      %get3A_149 = tpu.vector_load %arg4[%get3A_147, %get3A_148] {strides = array<i32>} : memref<32x768xf32, #tpu.memory_space<vmem>>, vector<1x16xf32>,
      %get3A_150 = vector.shape_cast %get3A_149 : vector<1x16xf32> to vector<16xf32>
      %get3A_151 = arith.constant 7 : i32
      %get3A_152 = arith.index_cast %get3A_151 : i32 to index
      %get3A_153 = arith.index_cast %mul3A_116 : i32 to index
      %get3A_154 = tpu.vector_load %arg4[%get3A_152, %get3A_153] {strides = array<i32>} : memref<32x768xf32, #tpu.memory_space<vmem>>, vector<1x16xf32>,
      %get3A_155 = vector.shape_cast %get3A_154 : vector<1x16xf32> to vector<16xf32>
      %add3A_156 = arith.addf %get3A_120, %get3A_125 : vector<16xf32>
      %add3A_157 = arith.addf %get3A_130, %get3A_135 : vector<16xf32>
      %add3A_158 = arith.addf %get3A_140, %get3A_145 : vector<16xf32>
      %add3A_159 = arith.addf %get3A_150, %get3A_155 : vector<16xf32>
      %add3A_160 = arith.addf %add3A_156, %add3A_157 : vector<16xf32>
      %add3A_161 = arith.addf %add3A_158, %add3A_159 : vector<16xf32>
      %add3A_162 = arith.addf %add3A_160, %add3A_161 : vector<16xf32>
      %swap3A = arith.index_cast %mul3A_116 : i32 to index
      %swap3A_163 = tpu.vector_load %arg5[%swap3A] {strides = array<i32>} : memref<768xf32, #tpu.memory_space<vmem>>, vector<16xf32>,
      %swap3A_164 = vector.shape_cast %swap3A_163 : vector<16xf32> to vector<16xf32>
      %swap3A_165 = vector.shape_cast %add3A_162 : vector<16xf32> to vector<16xf32>
      tpu.vector_store %arg5[%swap3A], %swap3A_165 {strides = array<i32>} : memref<768xf32, #tpu.memory_space<vmem>>, vector<16xf32>,
      %scan3A_166 = arith.constant 1 : i32
      %scan3A_167 = arith.addi %scan3A_114, %scan3A_166 : i32
      %mul3A_168 = arith.constant 16 : i32
      %mul3A_169 = arith.muli %scan3A_167, %mul3A_168 : i32
      %get3A_170 = arith.constant 0 : i32
      %get3A_171 = arith.index_cast %get3A_170 : i32 to index
      %get3A_172 = arith.index_cast %mul3A_169 : i32 to index
      %get3A_173 = tpu.vector_load %arg4[%get3A_171, %get3A_172] {strides = array<i32>} : memref<32x768xf32, #tpu.memory_space<vmem>>, vector<1x16xf32>,
      %get3A_174 = vector.shape_cast %get3A_173 : vector<1x16xf32> to vector<16xf32>
      %get3A_175 = arith.constant 1 : i32
      %get3A_176 = arith.index_cast %get3A_175 : i32 to index
      %get3A_177 = arith.index_cast %mul3A_169 : i32 to index
      %get3A_178 = tpu.vector_load %arg4[%get3A_176, %get3A_177] {strides = array<i32>} : memref<32x768xf32, #tpu.memory_space<vmem>>, vector<1x16xf32>,
      %get3A_179 = vector.shape_cast %get3A_178 : vector<1x16xf32> to vector<16xf32>
      %get3A_180 = arith.constant 2 : i32
      %get3A_181 = arith.index_cast %get3A_180 : i32 to index
      %get3A_182 = arith.index_cast %mul3A_169 : i32 to index
      %get3A_183 = tpu.vector_load %arg4[%get3A_181, %get3A_182] {strides = array<i32>} : memref<32x768xf32, #tpu.memory_space<vmem>>, vector<1x16xf32>,
      %get3A_184 = vector.shape_cast %get3A_183 : vector<1x16xf32> to vector<16xf32>
      %get3A_185 = arith.constant 3 : i32
      %get3A_186 = arith.index_cast %get3A_185 : i32 to index
      %get3A_187 = arith.index_cast %mul3A_169 : i32 to index
      %get3A_188 = tpu.vector_load %arg4[%get3A_186, %get3A_187] {strides = array<i32>} : memref<32x768xf32, #tpu.memory_space<vmem>>, vector<1x16xf32>,
      %get3A_189 = vector.shape_cast %get3A_188 : vector<1x16xf32> to vector<16xf32>
      %get3A_190 = arith.constant 4 : i32
      %get3A_191 = arith.index_cast %get3A_190 : i32 to index
      %get3A_192 = arith.index_cast %mul3A_169 : i32 to index
      %get3A_193 = tpu.vector_load %arg4[%get3A_191, %get3A_192] {strides = array<i32>} : memref<32x768xf32, #tpu.memory_space<vmem>>, vector<1x16xf32>,
      %get3A_194 = vector.shape_cast %get3A_193 : vector<1x16xf32> to vector<16xf32>
      %get3A_195 = arith.constant 5 : i32
      %get3A_196 = arith.index_cast %get3A_195 : i32 to index
      %get3A_197 = arith.index_cast %mul3A_169 : i32 to index
      %get3A_198 = tpu.vector_load %arg4[%get3A_196, %get3A_197] {strides = array<i32>} : memref<32x768xf32, #tpu.memory_space<vmem>>, vector<1x16xf32>,
      %get3A_199 = vector.shape_cast %get3A_198 : vector<1x16xf32> to vector<16xf32>
      %get3A_200 = arith.constant 6 : i32
      %get3A_201 = arith.index_cast %get3A_200 : i32 to index
      %get3A_202 = arith.index_cast %mul3A_169 : i32 to index
      %get3A_203 = tpu.vector_load %arg4[%get3A_201, %get3A_202] {strides = array<i32>} : memref<32x768xf32, #tpu.memory_space<vmem>>, vector<1x16xf32>,
      %get3A_204 = vector.shape_cast %get3A_203 : vector<1x16xf32> to vector<16xf32>
      %get3A_205 = arith.constant 7 : i32
      %get3A_206 = arith.index_cast %get3A_205 : i32 to index
      %get3A_207 = arith.index_cast %mul3A_169 : i32 to index
      %get3A_208 = tpu.vector_load %arg4[%get3A_206, %get3A_207] {strides = array<i32>} : memref<32x768xf32, #tpu.memory_space<vmem>>, vector<1x16xf32>,
      %get3A_209 = vector.shape_cast %get3A_208 : vector<1x16xf32> to vector<16xf32>
      %add3A_210 = arith.addf %get3A_174, %get3A_179 : vector<16xf32>
      %add3A_211 = arith.addf %get3A_184, %get3A_189 : vector<16xf32>
      %add3A_212 = arith.addf %get3A_194, %get3A_199 : vector<16xf32>
      %add3A_213 = arith.addf %get3A_204, %get3A_209 : vector<16xf32>
      %add3A_214 = arith.addf %add3A_210, %add3A_211 : vector<16xf32>
      %add3A_215 = arith.addf %add3A_212, %add3A_213 : vector<16xf32>
      %add3A_216 = arith.addf %add3A_214, %add3A_215 : vector<16xf32>
      %swap3A_217 = arith.index_cast %mul3A_169 : i32 to index
      %swap3A_218 = tpu.vector_load %arg5[%swap3A_217] {strides = array<i32>} : memref<768xf32, #tpu.memory_space<vmem>>, vector<16xf32>,
      %swap3A_219 = vector.shape_cast %swap3A_218 : vector<16xf32> to vector<16xf32>
      %swap3A_220 = vector.shape_cast %add3A_216 : vector<16xf32> to vector<16xf32>
      tpu.vector_store %arg5[%swap3A_217], %swap3A_220 {strides = array<i32>} : memref<768xf32, #tpu.memory_space<vmem>>, vector<16xf32>,
    }
    %scan3A_63 = arith.constant 48 : i32
    %dma_wait3A_64 = arith.constant 8 : i32
    %dma_wait3A_65 = arith.constant 0 : i32
    %dma_wait3A_66 = tpu.memref_slice %arg4[%dma_wait3A_64, %dma_wait3A_65] : memref<32x768xf32, #tpu.memory_space<vmem>> -> memref<8x768xf32, #tpu.memory_space<vmem>>
    %dma_wait3A_67 = arith.constant 0 : i32
    %dma_wait3A_68 = tpu.memref_slice %arg2[%add3A_15, %dma_wait3A_67] : memref<1024x768xf32, #tpu.memory_space<hbm>> -> memref<8x768xf32, #tpu.memory_space<hbm>>
    %dma_wait3A_69 = arith.constant 8 : i32
    %dma_wait3A_70 = arith.constant 0 : i32
    %dma_wait3A_71 = tpu.memref_slice %arg4[%dma_wait3A_69, %dma_wait3A_70] : memref<32x768xf32, #tpu.memory_space<vmem>> -> memref<8x768xf32, #tpu.memory_space<vmem>>
    %dma_wait3A_72 = arith.constant 0 : i32
    %dma_wait3A_73 = tpu.memref_slice %arg2[%add3A_15, %dma_wait3A_72] : memref<1024x768xf32, #tpu.memory_space<hbm>> -> memref<8x768xf32, #tpu.memory_space<hbm>>
    tpu.wait_dma2 semaphore(%arg6 : memref<!tpu.dma_semaphore, #tpu.memory_space<semaphore_mem>>) src(%dma_wait3A_73 : memref<8x768xf32, #tpu.memory_space<hbm>>) dst(%dma_wait3A_71 : memref<8x768xf32, #tpu.memory_space<vmem>>)
    %scan3A_74 = arith.constant 0 : i32
    %scan3A_75 = arith.constant 0 : i32
    %scan3A_76 = arith.constant 48 : i32
    %scan3A_77 = arith.addi %scan3A_75, %scan3A_76 : i32
    %scan3A_78 = arith.constant 2 : i32
    scf.for %scan3A_114 = %scan3A_75 to %scan3A_77 step %scan3A_78  : i32 {
      %mul3A_115 = arith.constant 16 : i32
      %mul3A_116 = arith.muli %scan3A_114, %mul3A_115 : i32
      %get3A = arith.constant 8 : i32
      %get3A_117 = arith.index_cast %get3A : i32 to index
      %get3A_118 = arith.index_cast %mul3A_116 : i32 to index
      %get3A_119 = tpu.vector_load %arg4[%get3A_117, %get3A_118] {strides = array<i32>} : memref<32x768xf32, #tpu.memory_space<vmem>>, vector<1x16xf32>,
      %get3A_120 = vector.shape_cast %get3A_119 : vector<1x16xf32> to vector<16xf32>
      %get3A_121 = arith.constant 9 : i32
      %get3A_122 = arith.index_cast %get3A_121 : i32 to index
      %get3A_123 = arith.index_cast %mul3A_116 : i32 to index
      %get3A_124 = tpu.vector_load %arg4[%get3A_122, %get3A_123] {strides = array<i32>} : memref<32x768xf32, #tpu.memory_space<vmem>>, vector<1x16xf32>,
      %get3A_125 = vector.shape_cast %get3A_124 : vector<1x16xf32> to vector<16xf32>
      %get3A_126 = arith.constant 10 : i32
      %get3A_127 = arith.index_cast %get3A_126 : i32 to index
      %get3A_128 = arith.index_cast %mul3A_116 : i32 to index
      %get3A_129 = tpu.vector_load %arg4[%get3A_127, %get3A_128] {strides = array<i32>} : memref<32x768xf32, #tpu.memory_space<vmem>>, vector<1x16xf32>,
      %get3A_130 = vector.shape_cast %get3A_129 : vector<1x16xf32> to vector<16xf32>
      %get3A_131 = arith.constant 11 : i32
      %get3A_132 = arith.index_cast %get3A_131 : i32 to index
      %get3A_133 = arith.index_cast %mul3A_116 : i32 to index
      %get3A_134 = tpu.vector_load %arg4[%get3A_132, %get3A_133] {strides = array<i32>} : memref<32x768xf32, #tpu.memory_space<vmem>>, vector<1x16xf32>,
      %get3A_135 = vector.shape_cast %get3A_134 : vector<1x16xf32> to vector<16xf32>
      %get3A_136 = arith.constant 12 : i32
      %get3A_137 = arith.index_cast %get3A_136 : i32 to index
      %get3A_138 = arith.index_cast %mul3A_116 : i32 to index
      %get3A_139 = tpu.vector_load %arg4[%get3A_137, %get3A_138] {strides = array<i32>} : memref<32x768xf32, #tpu.memory_space<vmem>>, vector<1x16xf32>,
      %get3A_140 = vector.shape_cast %get3A_139 : vector<1x16xf32> to vector<16xf32>
      %get3A_141 = arith.constant 13 : i32
      %get3A_142 = arith.index_cast %get3A_141 : i32 to index
      %get3A_143 = arith.index_cast %mul3A_116 : i32 to index
      %get3A_144 = tpu.vector_load %arg4[%get3A_142, %get3A_143] {strides = array<i32>} : memref<32x768xf32, #tpu.memory_space<vmem>>, vector<1x16xf32>,
      %get3A_145 = vector.shape_cast %get3A_144 : vector<1x16xf32> to vector<16xf32>
      %get3A_146 = arith.constant 14 : i32
      %get3A_147 = arith.index_cast %get3A_146 : i32 to index
      %get3A_148 = arith.index_cast %mul3A_116 : i32 to index
      %get3A_149 = tpu.vector_load %arg4[%get3A_147, %get3A_148] {strides = array<i32>} : memref<32x768xf32, #tpu.memory_space<vmem>>, vector<1x16xf32>,
      %get3A_150 = vector.shape_cast %get3A_149 : vector<1x16xf32> to vector<16xf32>
      %get3A_151 = arith.constant 15 : i32
      %get3A_152 = arith.index_cast %get3A_151 : i32 to index
      %get3A_153 = arith.index_cast %mul3A_116 : i32 to index
      %get3A_154 = tpu.vector_load %arg4[%get3A_152, %get3A_153] {strides = array<i32>} : memref<32x768xf32, #tpu.memory_space<vmem>>, vector<1x16xf32>,
      %get3A_155 = vector.shape_cast %get3A_154 : vector<1x16xf32> to vector<16xf32>
      %add3A_156 = arith.addf %get3A_120, %get3A_125 : vector<16xf32>
      %add3A_157 = arith.addf %get3A_130, %get3A_135 : vector<16xf32>
      %add3A_158 = arith.addf %get3A_140, %get3A_145 : vector<16xf32>
      %add3A_159 = arith.addf %get3A_150, %get3A_155 : vector<16xf32>
      %add3A_160 = arith.addf %add3A_156, %add3A_157 : vector<16xf32>
      %add3A_161 = arith.addf %add3A_158, %add3A_159 : vector<16xf32>
      %add3A_162 = arith.addf %add3A_160, %add3A_161 : vector<16xf32>
      %swap3A = arith.index_cast %mul3A_116 : i32 to index
      %swap3A_163 = tpu.vector_load %arg5[%swap3A] {strides = array<i32>} : memref<768xf32, #tpu.memory_space<vmem>>, vector<16xf32>,
      %swap3A_164 = vector.shape_cast %swap3A_163 : vector<16xf32> to vector<16xf32>
      %swap3A_165 = vector.shape_cast %add3A_162 : vector<16xf32> to vector<16xf32>
      tpu.vector_store %arg5[%swap3A], %swap3A_165 {add = true, strides = array<i32>} : memref<768xf32, #tpu.memory_space<vmem>>, vector<16xf32>,
      %scan3A_166 = arith.constant 1 : i32
      %scan3A_167 = arith.addi %scan3A_114, %scan3A_166 : i32
      %mul3A_168 = arith.constant 16 : i32
      %mul3A_169 = arith.muli %scan3A_167, %mul3A_168 : i32
      %get3A_170 = arith.constant 8 : i32
      %get3A_171 = arith.index_cast %get3A_170 : i32 to index
      %get3A_172 = arith.index_cast %mul3A_169 : i32 to index
      %get3A_173 = tpu.vector_load %arg4[%get3A_171, %get3A_172] {strides = array<i32>} : memref<32x768xf32, #tpu.memory_space<vmem>>, vector<1x16xf32>,
      %get3A_174 = vector.shape_cast %get3A_173 : vector<1x16xf32> to vector<16xf32>
      %get3A_175 = arith.constant 9 : i32
      %get3A_176 = arith.index_cast %get3A_175 : i32 to index
      %get3A_177 = arith.index_cast %mul3A_169 : i32 to index
      %get3A_178 = tpu.vector_load %arg4[%get3A_176, %get3A_177] {strides = array<i32>} : memref<32x768xf32, #tpu.memory_space<vmem>>, vector<1x16xf32>,
      %get3A_179 = vector.shape_cast %get3A_178 : vector<1x16xf32> to vector<16xf32>
      %get3A_180 = arith.constant 10 : i32
      %get3A_181 = arith.index_cast %get3A_180 : i32 to index
      %get3A_182 = arith.index_cast %mul3A_169 : i32 to index
      %get3A_183 = tpu.vector_load %arg4[%get3A_181, %get3A_182] {strides = array<i32>} : memref<32x768xf32, #tpu.memory_space<vmem>>, vector<1x16xf32>,
      %get3A_184 = vector.shape_cast %get3A_183 : vector<1x16xf32> to vector<16xf32>
      %get3A_185 = arith.constant 11 : i32
      %get3A_186 = arith.index_cast %get3A_185 : i32 to index
      %get3A_187 = arith.index_cast %mul3A_169 : i32 to index
      %get3A_188 = tpu.vector_load %arg4[%get3A_186, %get3A_187] {strides = array<i32>} : memref<32x768xf32, #tpu.memory_space<vmem>>, vector<1x16xf32>,
      %get3A_189 = vector.shape_cast %get3A_188 : vector<1x16xf32> to vector<16xf32>
      %get3A_190 = arith.constant 12 : i32
      %get3A_191 = arith.index_cast %get3A_190 : i32 to index
      %get3A_192 = arith.index_cast %mul3A_169 : i32 to index
      %get3A_193 = tpu.vector_load %arg4[%get3A_191, %get3A_192] {strides = array<i32>} : memref<32x768xf32, #tpu.memory_space<vmem>>, vector<1x16xf32>,
      %get3A_194 = vector.shape_cast %get3A_193 : vector<1x16xf32> to vector<16xf32>
      %get3A_195 = arith.constant 13 : i32
      %get3A_196 = arith.index_cast %get3A_195 : i32 to index
      %get3A_197 = arith.index_cast %mul3A_169 : i32 to index
      %get3A_198 = tpu.vector_load %arg4[%get3A_196, %get3A_197] {strides = array<i32>} : memref<32x768xf32, #tpu.memory_space<vmem>>, vector<1x16xf32>,
      %get3A_199 = vector.shape_cast %get3A_198 : vector<1x16xf32> to vector<16xf32>
      %get3A_200 = arith.constant 14 : i32
      %get3A_201 = arith.index_cast %get3A_200 : i32 to index
      %get3A_202 = arith.index_cast %mul3A_169 : i32 to index
      %get3A_203 = tpu.vector_load %arg4[%get3A_201, %get3A_202] {strides = array<i32>} : memref<32x768xf32, #tpu.memory_space<vmem>>, vector<1x16xf32>,
      %get3A_204 = vector.shape_cast %get3A_203 : vector<1x16xf32> to vector<16xf32>
      %get3A_205 = arith.constant 15 : i32
      %get3A_206 = arith.index_cast %get3A_205 : i32 to index
      %get3A_207 = arith.index_cast %mul3A_169 : i32 to index
      %get3A_208 = tpu.vector_load %arg4[%get3A_206, %get3A_207] {strides = array<i32>} : memref<32x768xf32, #tpu.memory_space<vmem>>, vector<1x16xf32>,
      %get3A_209 = vector.shape_cast %get3A_208 : vector<1x16xf32> to vector<16xf32>
      %add3A_210 = arith.addf %get3A_174, %get3A_179 : vector<16xf32>
      %add3A_211 = arith.addf %get3A_184, %get3A_189 : vector<16xf32>
      %add3A_212 = arith.addf %get3A_194, %get3A_199 : vector<16xf32>
      %add3A_213 = arith.addf %get3A_204, %get3A_209 : vector<16xf32>
      %add3A_214 = arith.addf %add3A_210, %add3A_211 : vector<16xf32>
      %add3A_215 = arith.addf %add3A_212, %add3A_213 : vector<16xf32>
      %add3A_216 = arith.addf %add3A_214, %add3A_215 : vector<16xf32>
      %swap3A_217 = arith.index_cast %mul3A_169 : i32 to index
      %swap3A_218 = tpu.vector_load %arg5[%swap3A_217] {strides = array<i32>} : memref<768xf32, #tpu.memory_space<vmem>>, vector<16xf32>,
      %swap3A_219 = vector.shape_cast %swap3A_218 : vector<16xf32> to vector<16xf32>
      %swap3A_220 = vector.shape_cast %add3A_216 : vector<16xf32> to vector<16xf32>
      tpu.vector_store %arg5[%swap3A_217], %swap3A_220 {add = true, strides = array<i32>} : memref<768xf32, #tpu.memory_space<vmem>>, vector<16xf32>,
    }
    %scan3A_79 = arith.constant 48 : i32
    %dma_wait3A_80 = arith.constant 16 : i32
    %dma_wait3A_81 = arith.constant 0 : i32
    %dma_wait3A_82 = tpu.memref_slice %arg4[%dma_wait3A_80, %dma_wait3A_81] : memref<32x768xf32, #tpu.memory_space<vmem>> -> memref<8x768xf32, #tpu.memory_space<vmem>>
    %dma_wait3A_83 = arith.constant 0 : i32
    %dma_wait3A_84 = tpu.memref_slice %arg2[%add3A_27, %dma_wait3A_83] : memref<1024x768xf32, #tpu.memory_space<hbm>> -> memref<8x768xf32, #tpu.memory_space<hbm>>
    %dma_wait3A_85 = arith.constant 16 : i32
    %dma_wait3A_86 = arith.constant 0 : i32
    %dma_wait3A_87 = tpu.memref_slice %arg4[%dma_wait3A_85, %dma_wait3A_86] : memref<32x768xf32, #tpu.memory_space<vmem>> -> memref<8x768xf32, #tpu.memory_space<vmem>>
    %dma_wait3A_88 = arith.constant 0 : i32
    %dma_wait3A_89 = tpu.memref_slice %arg2[%add3A_27, %dma_wait3A_88] : memref<1024x768xf32, #tpu.memory_space<hbm>> -> memref<8x768xf32, #tpu.memory_space<hbm>>
    tpu.wait_dma2 semaphore(%arg6 : memref<!tpu.dma_semaphore, #tpu.memory_space<semaphore_mem>>) src(%dma_wait3A_89 : memref<8x768xf32, #tpu.memory_space<hbm>>) dst(%dma_wait3A_87 : memref<8x768xf32, #tpu.memory_space<vmem>>)
    %scan3A_90 = arith.constant 0 : i32
    %scan3A_91 = arith.constant 0 : i32
    %scan3A_92 = arith.constant 48 : i32
    %scan3A_93 = arith.addi %scan3A_91, %scan3A_92 : i32
    %scan3A_94 = arith.constant 2 : i32
    scf.for %scan3A_114 = %scan3A_91 to %scan3A_93 step %scan3A_94  : i32 {
      %mul3A_115 = arith.constant 16 : i32
      %mul3A_116 = arith.muli %scan3A_114, %mul3A_115 : i32
      %get3A = arith.constant 16 : i32
      %get3A_117 = arith.index_cast %get3A : i32 to index
      %get3A_118 = arith.index_cast %mul3A_116 : i32 to index
      %get3A_119 = tpu.vector_load %arg4[%get3A_117, %get3A_118] {strides = array<i32>} : memref<32x768xf32, #tpu.memory_space<vmem>>, vector<1x16xf32>,
      %get3A_120 = vector.shape_cast %get3A_119 : vector<1x16xf32> to vector<16xf32>
      %get3A_121 = arith.constant 17 : i32
      %get3A_122 = arith.index_cast %get3A_121 : i32 to index
      %get3A_123 = arith.index_cast %mul3A_116 : i32 to index
      %get3A_124 = tpu.vector_load %arg4[%get3A_122, %get3A_123] {strides = array<i32>} : memref<32x768xf32, #tpu.memory_space<vmem>>, vector<1x16xf32>,
      %get3A_125 = vector.shape_cast %get3A_124 : vector<1x16xf32> to vector<16xf32>
      %get3A_126 = arith.constant 18 : i32
      %get3A_127 = arith.index_cast %get3A_126 : i32 to index
      %get3A_128 = arith.index_cast %mul3A_116 : i32 to index
      %get3A_129 = tpu.vector_load %arg4[%get3A_127, %get3A_128] {strides = array<i32>} : memref<32x768xf32, #tpu.memory_space<vmem>>, vector<1x16xf32>,
      %get3A_130 = vector.shape_cast %get3A_129 : vector<1x16xf32> to vector<16xf32>
      %get3A_131 = arith.constant 19 : i32
      %get3A_132 = arith.index_cast %get3A_131 : i32 to index
      %get3A_133 = arith.index_cast %mul3A_116 : i32 to index
      %get3A_134 = tpu.vector_load %arg4[%get3A_132, %get3A_133] {strides = array<i32>} : memref<32x768xf32, #tpu.memory_space<vmem>>, vector<1x16xf32>,
      %get3A_135 = vector.shape_cast %get3A_134 : vector<1x16xf32> to vector<16xf32>
      %get3A_136 = arith.constant 20 : i32
      %get3A_137 = arith.index_cast %get3A_136 : i32 to index
      %get3A_138 = arith.index_cast %mul3A_116 : i32 to index
      %get3A_139 = tpu.vector_load %arg4[%get3A_137, %get3A_138] {strides = array<i32>} : memref<32x768xf32, #tpu.memory_space<vmem>>, vector<1x16xf32>,
      %get3A_140 = vector.shape_cast %get3A_139 : vector<1x16xf32> to vector<16xf32>
      %get3A_141 = arith.constant 21 : i32
      %get3A_142 = arith.index_cast %get3A_141 : i32 to index
      %get3A_143 = arith.index_cast %mul3A_116 : i32 to index
      %get3A_144 = tpu.vector_load %arg4[%get3A_142, %get3A_143] {strides = array<i32>} : memref<32x768xf32, #tpu.memory_space<vmem>>, vector<1x16xf32>,
      %get3A_145 = vector.shape_cast %get3A_144 : vector<1x16xf32> to vector<16xf32>
      %get3A_146 = arith.constant 22 : i32
      %get3A_147 = arith.index_cast %get3A_146 : i32 to index
      %get3A_148 = arith.index_cast %mul3A_116 : i32 to index
      %get3A_149 = tpu.vector_load %arg4[%get3A_147, %get3A_148] {strides = array<i32>} : memref<32x768xf32, #tpu.memory_space<vmem>>, vector<1x16xf32>,
      %get3A_150 = vector.shape_cast %get3A_149 : vector<1x16xf32> to vector<16xf32>
      %get3A_151 = arith.constant 23 : i32
      %get3A_152 = arith.index_cast %get3A_151 : i32 to index
      %get3A_153 = arith.index_cast %mul3A_116 : i32 to index
      %get3A_154 = tpu.vector_load %arg4[%get3A_152, %get3A_153] {strides = array<i32>} : memref<32x768xf32, #tpu.memory_space<vmem>>, vector<1x16xf32>,
      %get3A_155 = vector.shape_cast %get3A_154 : vector<1x16xf32> to vector<16xf32>
      %add3A_156 = arith.addf %get3A_120, %get3A_125 : vector<16xf32>
      %add3A_157 = arith.addf %get3A_130, %get3A_135 : vector<16xf32>
      %add3A_158 = arith.addf %get3A_140, %get3A_145 : vector<16xf32>
      %add3A_159 = arith.addf %get3A_150, %get3A_155 : vector<16xf32>
      %add3A_160 = arith.addf %add3A_156, %add3A_157 : vector<16xf32>
      %add3A_161 = arith.addf %add3A_158, %add3A_159 : vector<16xf32>
      %add3A_162 = arith.addf %add3A_160, %add3A_161 : vector<16xf32>
      %swap3A = arith.index_cast %mul3A_116 : i32 to index
      %swap3A_163 = tpu.vector_load %arg5[%swap3A] {strides = array<i32>} : memref<768xf32, #tpu.memory_space<vmem>>, vector<16xf32>,
      %swap3A_164 = vector.shape_cast %swap3A_163 : vector<16xf32> to vector<16xf32>
      %swap3A_165 = vector.shape_cast %add3A_162 : vector<16xf32> to vector<16xf32>
      tpu.vector_store %arg5[%swap3A], %swap3A_165 {add = true, strides = array<i32>} : memref<768xf32, #tpu.memory_space<vmem>>, vector<16xf32>,
      %scan3A_166 = arith.constant 1 : i32
      %scan3A_167 = arith.addi %scan3A_114, %scan3A_166 : i32
      %mul3A_168 = arith.constant 16 : i32
      %mul3A_169 = arith.muli %scan3A_167, %mul3A_168 : i32
      %get3A_170 = arith.constant 16 : i32
      %get3A_171 = arith.index_cast %get3A_170 : i32 to index
      %get3A_172 = arith.index_cast %mul3A_169 : i32 to index
      %get3A_173 = tpu.vector_load %arg4[%get3A_171, %get3A_172] {strides = array<i32>} : memref<32x768xf32, #tpu.memory_space<vmem>>, vector<1x16xf32>,
      %get3A_174 = vector.shape_cast %get3A_173 : vector<1x16xf32> to vector<16xf32>
      %get3A_175 = arith.constant 17 : i32
      %get3A_176 = arith.index_cast %get3A_175 : i32 to index
      %get3A_177 = arith.index_cast %mul3A_169 : i32 to index
      %get3A_178 = tpu.vector_load %arg4[%get3A_176, %get3A_177] {strides = array<i32>} : memref<32x768xf32, #tpu.memory_space<vmem>>, vector<1x16xf32>,
      %get3A_179 = vector.shape_cast %get3A_178 : vector<1x16xf32> to vector<16xf32>
      %get3A_180 = arith.constant 18 : i32
      %get3A_181 = arith.index_cast %get3A_180 : i32 to index
      %get3A_182 = arith.index_cast %mul3A_169 : i32 to index
      %get3A_183 = tpu.vector_load %arg4[%get3A_181, %get3A_182] {strides = array<i32>} : memref<32x768xf32, #tpu.memory_space<vmem>>, vector<1x16xf32>,
      %get3A_184 = vector.shape_cast %get3A_183 : vector<1x16xf32> to vector<16xf32>
      %get3A_185 = arith.constant 19 : i32
      %get3A_186 = arith.index_cast %get3A_185 : i32 to index
      %get3A_187 = arith.index_cast %mul3A_169 : i32 to index
      %get3A_188 = tpu.vector_load %arg4[%get3A_186, %get3A_187] {strides = array<i32>} : memref<32x768xf32, #tpu.memory_space<vmem>>, vector<1x16xf32>,
      %get3A_189 = vector.shape_cast %get3A_188 : vector<1x16xf32> to vector<16xf32>
      %get3A_190 = arith.constant 20 : i32
      %get3A_191 = arith.index_cast %get3A_190 : i32 to index
      %get3A_192 = arith.index_cast %mul3A_169 : i32 to index
      %get3A_193 = tpu.vector_load %arg4[%get3A_191, %get3A_192] {strides = array<i32>} : memref<32x768xf32, #tpu.memory_space<vmem>>, vector<1x16xf32>,
      %get3A_194 = vector.shape_cast %get3A_193 : vector<1x16xf32> to vector<16xf32>
      %get3A_195 = arith.constant 21 : i32
      %get3A_196 = arith.index_cast %get3A_195 : i32 to index
      %get3A_197 = arith.index_cast %mul3A_169 : i32 to index
      %get3A_198 = tpu.vector_load %arg4[%get3A_196, %get3A_197] {strides = array<i32>} : memref<32x768xf32, #tpu.memory_space<vmem>>, vector<1x16xf32>,
      %get3A_199 = vector.shape_cast %get3A_198 : vector<1x16xf32> to vector<16xf32>
      %get3A_200 = arith.constant 22 : i32
      %get3A_201 = arith.index_cast %get3A_200 : i32 to index
      %get3A_202 = arith.index_cast %mul3A_169 : i32 to index
      %get3A_203 = tpu.vector_load %arg4[%get3A_201, %get3A_202] {strides = array<i32>} : memref<32x768xf32, #tpu.memory_space<vmem>>, vector<1x16xf32>,
      %get3A_204 = vector.shape_cast %get3A_203 : vector<1x16xf32> to vector<16xf32>
      %get3A_205 = arith.constant 23 : i32
      %get3A_206 = arith.index_cast %get3A_205 : i32 to index
      %get3A_207 = arith.index_cast %mul3A_169 : i32 to index
      %get3A_208 = tpu.vector_load %arg4[%get3A_206, %get3A_207] {strides = array<i32>} : memref<32x768xf32, #tpu.memory_space<vmem>>, vector<1x16xf32>,
      %get3A_209 = vector.shape_cast %get3A_208 : vector<1x16xf32> to vector<16xf32>
      %add3A_210 = arith.addf %get3A_174, %get3A_179 : vector<16xf32>
      %add3A_211 = arith.addf %get3A_184, %get3A_189 : vector<16xf32>
      %add3A_212 = arith.addf %get3A_194, %get3A_199 : vector<16xf32>
      %add3A_213 = arith.addf %get3A_204, %get3A_209 : vector<16xf32>
      %add3A_214 = arith.addf %add3A_210, %add3A_211 : vector<16xf32>
      %add3A_215 = arith.addf %add3A_212, %add3A_213 : vector<16xf32>
      %add3A_216 = arith.addf %add3A_214, %add3A_215 : vector<16xf32>
      %swap3A_217 = arith.index_cast %mul3A_169 : i32 to index
      %swap3A_218 = tpu.vector_load %arg5[%swap3A_217] {strides = array<i32>} : memref<768xf32, #tpu.memory_space<vmem>>, vector<16xf32>,
      %swap3A_219 = vector.shape_cast %swap3A_218 : vector<16xf32> to vector<16xf32>
      %swap3A_220 = vector.shape_cast %add3A_216 : vector<16xf32> to vector<16xf32>
      tpu.vector_store %arg5[%swap3A_217], %swap3A_220 {add = true, strides = array<i32>} : memref<768xf32, #tpu.memory_space<vmem>>, vector<16xf32>,
    }
    %scan3A_95 = arith.constant 48 : i32
    %dma_wait3A_96 = arith.constant 24 : i32
    %dma_wait3A_97 = arith.constant 0 : i32
    %dma_wait3A_98 = tpu.memref_slice %arg4[%dma_wait3A_96, %dma_wait3A_97] : memref<32x768xf32, #tpu.memory_space<vmem>> -> memref<8x768xf32, #tpu.memory_space<vmem>>
    %dma_wait3A_99 = arith.constant 0 : i32
    %dma_wait3A_100 = tpu.memref_slice %arg2[%add3A_39, %dma_wait3A_99] : memref<1024x768xf32, #tpu.memory_space<hbm>> -> memref<8x768xf32, #tpu.memory_space<hbm>>
    %dma_wait3A_101 = arith.constant 24 : i32
    %dma_wait3A_102 = arith.constant 0 : i32
    %dma_wait3A_103 = tpu.memref_slice %arg4[%dma_wait3A_101, %dma_wait3A_102] : memref<32x768xf32, #tpu.memory_space<vmem>> -> memref<8x768xf32, #tpu.memory_space<vmem>>
    %dma_wait3A_104 = arith.constant 0 : i32
    %dma_wait3A_105 = tpu.memref_slice %arg2[%add3A_39, %dma_wait3A_104] : memref<1024x768xf32, #tpu.memory_space<hbm>> -> memref<8x768xf32, #tpu.memory_space<hbm>>
    tpu.wait_dma2 semaphore(%arg6 : memref<!tpu.dma_semaphore, #tpu.memory_space<semaphore_mem>>) src(%dma_wait3A_105 : memref<8x768xf32, #tpu.memory_space<hbm>>) dst(%dma_wait3A_103 : memref<8x768xf32, #tpu.memory_space<vmem>>)
    %scan3A_106 = arith.constant 0 : i32
    %scan3A_107 = arith.constant 0 : i32
    %scan3A_108 = arith.constant 48 : i32
    %scan3A_109 = arith.addi %scan3A_107, %scan3A_108 : i32
    %scan3A_110 = arith.constant 2 : i32
    scf.for %scan3A_114 = %scan3A_107 to %scan3A_109 step %scan3A_110  : i32 {
      %mul3A_115 = arith.constant 16 : i32
      %mul3A_116 = arith.muli %scan3A_114, %mul3A_115 : i32
      %get3A = arith.constant 24 : i32
      %get3A_117 = arith.index_cast %get3A : i32 to index
      %get3A_118 = arith.index_cast %mul3A_116 : i32 to index
      %get3A_119 = tpu.vector_load %arg4[%get3A_117, %get3A_118] {strides = array<i32>} : memref<32x768xf32, #tpu.memory_space<vmem>>, vector<1x16xf32>,
      %get3A_120 = vector.shape_cast %get3A_119 : vector<1x16xf32> to vector<16xf32>
      %get3A_121 = arith.constant 25 : i32
      %get3A_122 = arith.index_cast %get3A_121 : i32 to index
      %get3A_123 = arith.index_cast %mul3A_116 : i32 to index
      %get3A_124 = tpu.vector_load %arg4[%get3A_122, %get3A_123] {strides = array<i32>} : memref<32x768xf32, #tpu.memory_space<vmem>>, vector<1x16xf32>,
      %get3A_125 = vector.shape_cast %get3A_124 : vector<1x16xf32> to vector<16xf32>
      %get3A_126 = arith.constant 26 : i32
      %get3A_127 = arith.index_cast %get3A_126 : i32 to index
      %get3A_128 = arith.index_cast %mul3A_116 : i32 to index
      %get3A_129 = tpu.vector_load %arg4[%get3A_127, %get3A_128] {strides = array<i32>} : memref<32x768xf32, #tpu.memory_space<vmem>>, vector<1x16xf32>,
      %get3A_130 = vector.shape_cast %get3A_129 : vector<1x16xf32> to vector<16xf32>
      %get3A_131 = arith.constant 27 : i32
      %get3A_132 = arith.index_cast %get3A_131 : i32 to index
      %get3A_133 = arith.index_cast %mul3A_116 : i32 to index
      %get3A_134 = tpu.vector_load %arg4[%get3A_132, %get3A_133] {strides = array<i32>} : memref<32x768xf32, #tpu.memory_space<vmem>>, vector<1x16xf32>,
      %get3A_135 = vector.shape_cast %get3A_134 : vector<1x16xf32> to vector<16xf32>
      %get3A_136 = arith.constant 28 : i32
      %get3A_137 = arith.index_cast %get3A_136 : i32 to index
      %get3A_138 = arith.index_cast %mul3A_116 : i32 to index
      %get3A_139 = tpu.vector_load %arg4[%get3A_137, %get3A_138] {strides = array<i32>} : memref<32x768xf32, #tpu.memory_space<vmem>>, vector<1x16xf32>,
      %get3A_140 = vector.shape_cast %get3A_139 : vector<1x16xf32> to vector<16xf32>
      %get3A_141 = arith.constant 29 : i32
      %get3A_142 = arith.index_cast %get3A_141 : i32 to index
      %get3A_143 = arith.index_cast %mul3A_116 : i32 to index
      %get3A_144 = tpu.vector_load %arg4[%get3A_142, %get3A_143] {strides = array<i32>} : memref<32x768xf32, #tpu.memory_space<vmem>>, vector<1x16xf32>,
      %get3A_145 = vector.shape_cast %get3A_144 : vector<1x16xf32> to vector<16xf32>
      %get3A_146 = arith.constant 30 : i32
      %get3A_147 = arith.index_cast %get3A_146 : i32 to index
      %get3A_148 = arith.index_cast %mul3A_116 : i32 to index
      %get3A_149 = tpu.vector_load %arg4[%get3A_147, %get3A_148] {strides = array<i32>} : memref<32x768xf32, #tpu.memory_space<vmem>>, vector<1x16xf32>,
      %get3A_150 = vector.shape_cast %get3A_149 : vector<1x16xf32> to vector<16xf32>
      %get3A_151 = arith.constant 31 : i32
      %get3A_152 = arith.index_cast %get3A_151 : i32 to index
      %get3A_153 = arith.index_cast %mul3A_116 : i32 to index
      %get3A_154 = tpu.vector_load %arg4[%get3A_152, %get3A_153] {strides = array<i32>} : memref<32x768xf32, #tpu.memory_space<vmem>>, vector<1x16xf32>,
      %get3A_155 = vector.shape_cast %get3A_154 : vector<1x16xf32> to vector<16xf32>
      %add3A_156 = arith.addf %get3A_120, %get3A_125 : vector<16xf32>
      %add3A_157 = arith.addf %get3A_130, %get3A_135 : vector<16xf32>
      %add3A_158 = arith.addf %get3A_140, %get3A_145 : vector<16xf32>
      %add3A_159 = arith.addf %get3A_150, %get3A_155 : vector<16xf32>
      %add3A_160 = arith.addf %add3A_156, %add3A_157 : vector<16xf32>
      %add3A_161 = arith.addf %add3A_158, %add3A_159 : vector<16xf32>
      %add3A_162 = arith.addf %add3A_160, %add3A_161 : vector<16xf32>
      %swap3A = arith.index_cast %mul3A_116 : i32 to index
      %swap3A_163 = tpu.vector_load %arg5[%swap3A] {strides = array<i32>} : memref<768xf32, #tpu.memory_space<vmem>>, vector<16xf32>,
      %swap3A_164 = vector.shape_cast %swap3A_163 : vector<16xf32> to vector<16xf32>
      %swap3A_165 = vector.shape_cast %add3A_162 : vector<16xf32> to vector<16xf32>
      tpu.vector_store %arg5[%swap3A], %swap3A_165 {add = true, strides = array<i32>} : memref<768xf32, #tpu.memory_space<vmem>>, vector<16xf32>,
      %scan3A_166 = arith.constant 1 : i32
      %scan3A_167 = arith.addi %scan3A_114, %scan3A_166 : i32
      %mul3A_168 = arith.constant 16 : i32
      %mul3A_169 = arith.muli %scan3A_167, %mul3A_168 : i32
      %get3A_170 = arith.constant 24 : i32
      %get3A_171 = arith.index_cast %get3A_170 : i32 to index
      %get3A_172 = arith.index_cast %mul3A_169 : i32 to index
      %get3A_173 = tpu.vector_load %arg4[%get3A_171, %get3A_172] {strides = array<i32>} : memref<32x768xf32, #tpu.memory_space<vmem>>, vector<1x16xf32>,
      %get3A_174 = vector.shape_cast %get3A_173 : vector<1x16xf32> to vector<16xf32>
      %get3A_175 = arith.constant 25 : i32
      %get3A_176 = arith.index_cast %get3A_175 : i32 to index
      %get3A_177 = arith.index_cast %mul3A_169 : i32 to index
      %get3A_178 = tpu.vector_load %arg4[%get3A_176, %get3A_177] {strides = array<i32>} : memref<32x768xf32, #tpu.memory_space<vmem>>, vector<1x16xf32>,
      %get3A_179 = vector.shape_cast %get3A_178 : vector<1x16xf32> to vector<16xf32>
      %get3A_180 = arith.constant 26 : i32
      %get3A_181 = arith.index_cast %get3A_180 : i32 to index
      %get3A_182 = arith.index_cast %mul3A_169 : i32 to index
      %get3A_183 = tpu.vector_load %arg4[%get3A_181, %get3A_182] {strides = array<i32>} : memref<32x768xf32, #tpu.memory_space<vmem>>, vector<1x16xf32>,
      %get3A_184 = vector.shape_cast %get3A_183 : vector<1x16xf32> to vector<16xf32>
      %get3A_185 = arith.constant 27 : i32
      %get3A_186 = arith.index_cast %get3A_185 : i32 to index
      %get3A_187 = arith.index_cast %mul3A_169 : i32 to index
      %get3A_188 = tpu.vector_load %arg4[%get3A_186, %get3A_187] {strides = array<i32>} : memref<32x768xf32, #tpu.memory_space<vmem>>, vector<1x16xf32>,
      %get3A_189 = vector.shape_cast %get3A_188 : vector<1x16xf32> to vector<16xf32>
      %get3A_190 = arith.constant 28 : i32
      %get3A_191 = arith.index_cast %get3A_190 : i32 to index
      %get3A_192 = arith.index_cast %mul3A_169 : i32 to index
      %get3A_193 = tpu.vector_load %arg4[%get3A_191, %get3A_192] {strides = array<i32>} : memref<32x768xf32, #tpu.memory_space<vmem>>, vector<1x16xf32>,
      %get3A_194 = vector.shape_cast %get3A_193 : vector<1x16xf32> to vector<16xf32>
      %get3A_195 = arith.constant 29 : i32
      %get3A_196 = arith.index_cast %get3A_195 : i32 to index
      %get3A_197 = arith.index_cast %mul3A_169 : i32 to index
      %get3A_198 = tpu.vector_load %arg4[%get3A_196, %get3A_197] {strides = array<i32>} : memref<32x768xf32, #tpu.memory_space<vmem>>, vector<1x16xf32>,
      %get3A_199 = vector.shape_cast %get3A_198 : vector<1x16xf32> to vector<16xf32>
      %get3A_200 = arith.constant 30 : i32
      %get3A_201 = arith.index_cast %get3A_200 : i32 to index
      %get3A_202 = arith.index_cast %mul3A_169 : i32 to index
      %get3A_203 = tpu.vector_load %arg4[%get3A_201, %get3A_202] {strides = array<i32>} : memref<32x768xf32, #tpu.memory_space<vmem>>, vector<1x16xf32>,
      %get3A_204 = vector.shape_cast %get3A_203 : vector<1x16xf32> to vector<16xf32>
      %get3A_205 = arith.constant 31 : i32
      %get3A_206 = arith.index_cast %get3A_205 : i32 to index
      %get3A_207 = arith.index_cast %mul3A_169 : i32 to index
      %get3A_208 = tpu.vector_load %arg4[%get3A_206, %get3A_207] {strides = array<i32>} : memref<32x768xf32, #tpu.memory_space<vmem>>, vector<1x16xf32>,
      %get3A_209 = vector.shape_cast %get3A_208 : vector<1x16xf32> to vector<16xf32>
      %add3A_210 = arith.addf %get3A_174, %get3A_179 : vector<16xf32>
      %add3A_211 = arith.addf %get3A_184, %get3A_189 : vector<16xf32>
      %add3A_212 = arith.addf %get3A_194, %get3A_199 : vector<16xf32>
      %add3A_213 = arith.addf %get3A_204, %get3A_209 : vector<16xf32>
      %add3A_214 = arith.addf %add3A_210, %add3A_211 : vector<16xf32>
      %add3A_215 = arith.addf %add3A_212, %add3A_213 : vector<16xf32>
      %add3A_216 = arith.addf %add3A_214, %add3A_215 : vector<16xf32>
      %swap3A_217 = arith.index_cast %mul3A_169 : i32 to index
      %swap3A_218 = tpu.vector_load %arg5[%swap3A_217] {strides = array<i32>} : memref<768xf32, #tpu.memory_space<vmem>>, vector<16xf32>,
      %swap3A_219 = vector.shape_cast %swap3A_218 : vector<16xf32> to vector<16xf32>
      %swap3A_220 = vector.shape_cast %add3A_216 : vector<16xf32> to vector<16xf32>
      tpu.vector_store %arg5[%swap3A_217], %swap3A_220 {add = true, strides = array<i32>} : memref<768xf32, #tpu.memory_space<vmem>>, vector<16xf32>,
    }
    %scan3A_111 = arith.constant 48 : i32
    %mul3A_112 = arith.constant 768 : i32
    %mul3A_113 = arith.muli %add3A, %mul3A_112 : i32
    "tpu.region"() ({
      %run_scoped3A = tpu.sem_alloc : memref<!tpu.dma_semaphore, #tpu.memory_space<semaphore_mem>>
      %dma_start3A_114 = tpu.memref_slice %arg3[%mul3A_113] : memref<24576xf32, #tpu.memory_space<hbm>> -> memref<768xf32, #tpu.memory_space<hbm>>
      %dma_start3A_115 = tpu.memref_slice %arg3[%mul3A_113] : memref<24576xf32, #tpu.memory_space<hbm>> -> memref<768xf32, #tpu.memory_space<hbm>>
      tpu.enqueue_dma source(%arg5 : memref<768xf32, #tpu.memory_space<vmem>>) target(%dma_start3A_115 : memref<768xf32, #tpu.memory_space<hbm>>) target_semaphore(%run_scoped3A : memref<!tpu.dma_semaphore, #tpu.memory_space<semaphore_mem>>)
      %dma_wait3A_116 = tpu.memref_slice %arg3[%mul3A_113] : memref<24576xf32, #tpu.memory_space<hbm>> -> memref<768xf32, #tpu.memory_space<hbm>>
      %dma_wait3A_117 = tpu.memref_slice %arg3[%mul3A_113] : memref<24576xf32, #tpu.memory_space<hbm>> -> memref<768xf32, #tpu.memory_space<hbm>>
      tpu.wait_dma2 semaphore(%run_scoped3A : memref<!tpu.dma_semaphore, #tpu.memory_space<semaphore_mem>>) src(%arg5 : memref<768xf32, #tpu.memory_space<vmem>>) dst(%dma_wait3A_117 : memref<768xf32, #tpu.memory_space<hbm>>)
      tpu.yield
    }) : () -> ()
    return
  }
}

module attributes {stable_mosaic.version = 14 : i64} {
  func.func @_tc_pool_body(%arg0: i32, %arg1: memref<256x768xf32, #tpu.memory_space<vmem>>, %arg2: memref<1x768xf32, #tpu.memory_space<vmem>>) attributes {dimension_semantics = [#tpu.dimension_semantics<arbitrary>], iteration_bounds = array<i64: 4>, scalar_prefetch = 0 : i64, scratch_operands = 0 : i64, tpu.core_type = #tpu.core_type<tc>, window_params = [{transform_indices = @transform_0, window_bounds = array<i64: 256, 768>}, {pipeline_mode = #tpu.pipeline_mode<synchronous>, transform_indices = @transform_1, window_bounds = array<i64: 1, 768>}]} {
    %get3A = arith.constant 0 : index
    %get3A_0 = arith.constant 0 : index
    %get3A_1 = vector.load %arg1[%get3A, %get3A_0] : memref<256x768xf32, #tpu.memory_space<vmem>>, vector<256x768xf32>
    %reduce_sum3A = arith.constant dense<0.000000e+00> : vector<768xf32>
    %reduce_sum3A_2 = vector.multi_reduction <add>, %get3A_1, %reduce_sum3A [0] : vector<256x768xf32> to vector<768xf32>
    %broadcast_in_dim3A = vector.shape_cast %reduce_sum3A_2 : vector<768xf32> to vector<1x768xf32>
    %eq3A = arith.constant 0 : i32
    %eq3A_3 = arith.cmpi eq, %arg0, %eq3A : i32
    %convert_element_type3A = arith.extui %eq3A_3 : i1 to i32
    %cond3A = arith.constant 0 : i32
    %cond3A_4 = arith.cmpi ne, %convert_element_type3A, %cond3A : i32
    scf.if %cond3A_4 {
      %swap3A = arith.constant 0 : index
      %swap3A_9 = arith.constant 0 : index
      %swap3A_10 = vector.load %arg2[%swap3A, %swap3A_9] : memref<1x768xf32, #tpu.memory_space<vmem>>, vector<1x768xf32>
      tpu.vector_store %arg2[%swap3A, %swap3A_9], %broadcast_in_dim3A {strides = array<i32>} : memref<1x768xf32, #tpu.memory_space<vmem>>, vector<1x768xf32>,
    } else {
    }
    %gt3A = arith.constant 0 : i32
    %gt3A_5 = arith.cmpi sgt, %arg0, %gt3A : i32
    %convert_element_type3A_6 = arith.extui %gt3A_5 : i1 to i32
    %cond3A_7 = arith.constant 0 : i32
    %cond3A_8 = arith.cmpi ne, %convert_element_type3A_6, %cond3A_7 : i32
    scf.if %cond3A_8 {
      %get3A_9 = arith.constant 0 : index
      %get3A_10 = arith.constant 0 : index
      %get3A_11 = vector.load %arg2[%get3A_9, %get3A_10] : memref<1x768xf32, #tpu.memory_space<vmem>>, vector<1x768xf32>
      %add3A = arith.addf %get3A_11, %broadcast_in_dim3A : vector<1x768xf32>
      %swap3A = arith.constant 0 : index
      %swap3A_12 = arith.constant 0 : index
      %swap3A_13 = vector.load %arg2[%swap3A, %swap3A_12] : memref<1x768xf32, #tpu.memory_space<vmem>>, vector<1x768xf32>
      tpu.vector_store %arg2[%swap3A, %swap3A_12], %add3A {strides = array<i32>} : memref<1x768xf32, #tpu.memory_space<vmem>>, vector<1x768xf32>,
    } else {
    }
    return
  }
  func.func @transform_0(%arg0: i32) -> (i32, i32) {
    %c0_i32 = arith.constant 0 : i32
    %c0_i32_0 = arith.constant 0 : i32
    return %arg0, %c0_i32 : i32, i32
  }
  func.func @transform_1(%arg0: i32) -> (i32, i32) {
    %c0_i32 = arith.constant 0 : i32
    %c0_i32_0 = arith.constant 0 : i32
    %c0_i32_1 = arith.constant 0 : i32
    return %c0_i32, %c0_i32_0 : i32, i32
  }
}

module attributes {stable_mosaic.version = 14 : i64} {
  func.func @_tc_graph_body(%arg0: memref<2xi32, #tpu.memory_space<smem>>, %arg1: memref<24576xf32, #tpu.memory_space<vmem>>, %arg2: memref<1x768xf32, #tpu.memory_space<vmem>>, %arg3: memref<18x768xf32, #tpu.memory_space<vmem>>, %arg4: memref<1x768xf32, #tpu.memory_space<vmem>>, %arg5: memref<1x18x18xf32, #tpu.memory_space<vmem>>) attributes {dimension_semantics = [], scalar_prefetch = 0 : i64, scratch_operands = 0 : i64, tpu.core_type = #tpu.core_type<tc>} {
    %get3A = arith.constant 0 : index
    %get3A_0 = vector.load %arg1[%get3A] : memref<24576xf32, #tpu.memory_space<vmem>>, vector<768xf32>
    %get3A_1 = arith.constant 768 : index
    %get3A_2 = vector.load %arg1[%get3A_1] : memref<24576xf32, #tpu.memory_space<vmem>>, vector<768xf32>
    %add3A = arith.addf %get3A_0, %get3A_2 : vector<768xf32>
    %get3A_3 = arith.constant 1536 : index
    %get3A_4 = vector.load %arg1[%get3A_3] : memref<24576xf32, #tpu.memory_space<vmem>>, vector<768xf32>
    %add3A_5 = arith.addf %add3A, %get3A_4 : vector<768xf32>
    %get3A_6 = arith.constant 2304 : index
    %get3A_7 = vector.load %arg1[%get3A_6] : memref<24576xf32, #tpu.memory_space<vmem>>, vector<768xf32>
    %add3A_8 = arith.addf %add3A_5, %get3A_7 : vector<768xf32>
    %get3A_9 = arith.constant 3072 : index
    %get3A_10 = vector.load %arg1[%get3A_9] : memref<24576xf32, #tpu.memory_space<vmem>>, vector<768xf32>
    %add3A_11 = arith.addf %add3A_8, %get3A_10 : vector<768xf32>
    %get3A_12 = arith.constant 3840 : index
    %get3A_13 = vector.load %arg1[%get3A_12] : memref<24576xf32, #tpu.memory_space<vmem>>, vector<768xf32>
    %add3A_14 = arith.addf %add3A_11, %get3A_13 : vector<768xf32>
    %get3A_15 = arith.constant 4608 : index
    %get3A_16 = vector.load %arg1[%get3A_15] : memref<24576xf32, #tpu.memory_space<vmem>>, vector<768xf32>
    %add3A_17 = arith.addf %add3A_14, %get3A_16 : vector<768xf32>
    %get3A_18 = arith.constant 5376 : index
    %get3A_19 = vector.load %arg1[%get3A_18] : memref<24576xf32, #tpu.memory_space<vmem>>, vector<768xf32>
    %add3A_20 = arith.addf %add3A_17, %get3A_19 : vector<768xf32>
    %get3A_21 = arith.constant 6144 : index
    %get3A_22 = vector.load %arg1[%get3A_21] : memref<24576xf32, #tpu.memory_space<vmem>>, vector<768xf32>
    %add3A_23 = arith.addf %add3A_20, %get3A_22 : vector<768xf32>
    %get3A_24 = arith.constant 6912 : index
    %get3A_25 = vector.load %arg1[%get3A_24] : memref<24576xf32, #tpu.memory_space<vmem>>, vector<768xf32>
    %add3A_26 = arith.addf %add3A_23, %get3A_25 : vector<768xf32>
    %get3A_27 = arith.constant 7680 : index
    %get3A_28 = vector.load %arg1[%get3A_27] : memref<24576xf32, #tpu.memory_space<vmem>>, vector<768xf32>
    %add3A_29 = arith.addf %add3A_26, %get3A_28 : vector<768xf32>
    %get3A_30 = arith.constant 8448 : index
    %get3A_31 = vector.load %arg1[%get3A_30] : memref<24576xf32, #tpu.memory_space<vmem>>, vector<768xf32>
    %add3A_32 = arith.addf %add3A_29, %get3A_31 : vector<768xf32>
    %get3A_33 = arith.constant 9216 : index
    %get3A_34 = vector.load %arg1[%get3A_33] : memref<24576xf32, #tpu.memory_space<vmem>>, vector<768xf32>
    %add3A_35 = arith.addf %add3A_32, %get3A_34 : vector<768xf32>
    %get3A_36 = arith.constant 9984 : index
    %get3A_37 = vector.load %arg1[%get3A_36] : memref<24576xf32, #tpu.memory_space<vmem>>, vector<768xf32>
    %add3A_38 = arith.addf %add3A_35, %get3A_37 : vector<768xf32>
    %get3A_39 = arith.constant 10752 : index
    %get3A_40 = vector.load %arg1[%get3A_39] : memref<24576xf32, #tpu.memory_space<vmem>>, vector<768xf32>
    %add3A_41 = arith.addf %add3A_38, %get3A_40 : vector<768xf32>
    %get3A_42 = arith.constant 11520 : index
    %get3A_43 = vector.load %arg1[%get3A_42] : memref<24576xf32, #tpu.memory_space<vmem>>, vector<768xf32>
    %add3A_44 = arith.addf %add3A_41, %get3A_43 : vector<768xf32>
    %get3A_45 = arith.constant 12288 : index
    %get3A_46 = vector.load %arg1[%get3A_45] : memref<24576xf32, #tpu.memory_space<vmem>>, vector<768xf32>
    %add3A_47 = arith.addf %add3A_44, %get3A_46 : vector<768xf32>
    %get3A_48 = arith.constant 13056 : index
    %get3A_49 = vector.load %arg1[%get3A_48] : memref<24576xf32, #tpu.memory_space<vmem>>, vector<768xf32>
    %add3A_50 = arith.addf %add3A_47, %get3A_49 : vector<768xf32>
    %get3A_51 = arith.constant 13824 : index
    %get3A_52 = vector.load %arg1[%get3A_51] : memref<24576xf32, #tpu.memory_space<vmem>>, vector<768xf32>
    %add3A_53 = arith.addf %add3A_50, %get3A_52 : vector<768xf32>
    %get3A_54 = arith.constant 14592 : index
    %get3A_55 = vector.load %arg1[%get3A_54] : memref<24576xf32, #tpu.memory_space<vmem>>, vector<768xf32>
    %add3A_56 = arith.addf %add3A_53, %get3A_55 : vector<768xf32>
    %get3A_57 = arith.constant 15360 : index
    %get3A_58 = vector.load %arg1[%get3A_57] : memref<24576xf32, #tpu.memory_space<vmem>>, vector<768xf32>
    %add3A_59 = arith.addf %add3A_56, %get3A_58 : vector<768xf32>
    %get3A_60 = arith.constant 16128 : index
    %get3A_61 = vector.load %arg1[%get3A_60] : memref<24576xf32, #tpu.memory_space<vmem>>, vector<768xf32>
    %add3A_62 = arith.addf %add3A_59, %get3A_61 : vector<768xf32>
    %get3A_63 = arith.constant 16896 : index
    %get3A_64 = vector.load %arg1[%get3A_63] : memref<24576xf32, #tpu.memory_space<vmem>>, vector<768xf32>
    %add3A_65 = arith.addf %add3A_62, %get3A_64 : vector<768xf32>
    %get3A_66 = arith.constant 17664 : index
    %get3A_67 = vector.load %arg1[%get3A_66] : memref<24576xf32, #tpu.memory_space<vmem>>, vector<768xf32>
    %add3A_68 = arith.addf %add3A_65, %get3A_67 : vector<768xf32>
    %get3A_69 = arith.constant 18432 : index
    %get3A_70 = vector.load %arg1[%get3A_69] : memref<24576xf32, #tpu.memory_space<vmem>>, vector<768xf32>
    %add3A_71 = arith.addf %add3A_68, %get3A_70 : vector<768xf32>
    %get3A_72 = arith.constant 19200 : index
    %get3A_73 = vector.load %arg1[%get3A_72] : memref<24576xf32, #tpu.memory_space<vmem>>, vector<768xf32>
    %add3A_74 = arith.addf %add3A_71, %get3A_73 : vector<768xf32>
    %get3A_75 = arith.constant 19968 : index
    %get3A_76 = vector.load %arg1[%get3A_75] : memref<24576xf32, #tpu.memory_space<vmem>>, vector<768xf32>
    %add3A_77 = arith.addf %add3A_74, %get3A_76 : vector<768xf32>
    %get3A_78 = arith.constant 20736 : index
    %get3A_79 = vector.load %arg1[%get3A_78] : memref<24576xf32, #tpu.memory_space<vmem>>, vector<768xf32>
    %add3A_80 = arith.addf %add3A_77, %get3A_79 : vector<768xf32>
    %get3A_81 = arith.constant 21504 : index
    %get3A_82 = vector.load %arg1[%get3A_81] : memref<24576xf32, #tpu.memory_space<vmem>>, vector<768xf32>
    %add3A_83 = arith.addf %add3A_80, %get3A_82 : vector<768xf32>
    %get3A_84 = arith.constant 22272 : index
    %get3A_85 = vector.load %arg1[%get3A_84] : memref<24576xf32, #tpu.memory_space<vmem>>, vector<768xf32>
    %add3A_86 = arith.addf %add3A_83, %get3A_85 : vector<768xf32>
    %get3A_87 = arith.constant 23040 : index
    %get3A_88 = vector.load %arg1[%get3A_87] : memref<24576xf32, #tpu.memory_space<vmem>>, vector<768xf32>
    %add3A_89 = arith.addf %add3A_86, %get3A_88 : vector<768xf32>
    %get3A_90 = arith.constant 23808 : index
    %get3A_91 = vector.load %arg1[%get3A_90] : memref<24576xf32, #tpu.memory_space<vmem>>, vector<768xf32>
    %add3A_92 = arith.addf %add3A_89, %get3A_91 : vector<768xf32>
    %mul3A = arith.constant 9.765625E-4 : f32
    %mul3A_93 = vector.broadcast %mul3A : f32 to vector<768xf32>
    %mul3A_94 = arith.mulf %add3A_92, %mul3A_93 : vector<768xf32>
    %reshape3A = vector.shape_cast %mul3A_94 : vector<768xf32> to vector<1x768xf32>
    %get3A_95 = arith.constant 0 : index
    %get3A_96 = arith.constant 0 : index
    %get3A_97 = vector.load %arg2[%get3A_95, %get3A_96] : memref<1x768xf32, #tpu.memory_space<vmem>>, vector<1x768xf32>
    %mul3A_98 = arith.constant 9.765625E-4 : f32
    %mul3A_99 = vector.broadcast %mul3A_98 : f32 to vector<1x768xf32>
    %mul3A_100 = arith.mulf %get3A_97, %mul3A_99 : vector<1x768xf32>
    %get3A_101 = arith.constant 0 : index
    %get3A_102 = arith.constant 0 : index
    %get3A_103 = vector.load %arg3[%get3A_101, %get3A_102] : memref<18x768xf32, #tpu.memory_space<vmem>>, vector<18x768xf32>
    %iota3A = tpu.iota {dimensions = array<i32: 0>} : vector<18x1xi32>
    %get3A_104 = arith.constant 0 : index
    %get3A_105 = memref.load %arg0[%get3A_104] : memref<2xi32, #tpu.memory_space<smem>>
    %eq3A = vector.broadcast %get3A_105 : i32 to vector<18x1xi32>
    %eq3A_106 = arith.cmpi eq, %iota3A, %eq3A : vector<18x1xi32>
    %broadcast_in_dim3A = vector.shape_cast %eq3A_106 : vector<18x1xi1> to vector<18x1xi1>
    %broadcast_in_dim3A_107 = vector.broadcast %broadcast_in_dim3A : vector<18x1xi1> to vector<18x768xi1>
    %broadcast_in_dim3A_108 = vector.shape_cast %reshape3A : vector<1x768xf32> to vector<1x768xf32>
    %broadcast_in_dim3A_109 = vector.broadcast %broadcast_in_dim3A_108 : vector<1x768xf32> to vector<18x768xf32>
    %select_n3A = arith.select %broadcast_in_dim3A_107, %broadcast_in_dim3A_109, %get3A_103 : vector<18x768xi1>, vector<18x768xf32>
    %get3A_110 = arith.constant 1 : index
    %get3A_111 = memref.load %arg0[%get3A_110] : memref<2xi32, #tpu.memory_space<smem>>
    %eq3A_112 = vector.broadcast %get3A_111 : i32 to vector<18x1xi32>
    %eq3A_113 = arith.cmpi eq, %iota3A, %eq3A_112 : vector<18x1xi32>
    %broadcast_in_dim3A_114 = vector.shape_cast %eq3A_113 : vector<18x1xi1> to vector<18x1xi1>
    %broadcast_in_dim3A_115 = vector.broadcast %broadcast_in_dim3A_114 : vector<18x1xi1> to vector<18x768xi1>
    %broadcast_in_dim3A_116 = vector.shape_cast %mul3A_100 : vector<1x768xf32> to vector<1x768xf32>
    %broadcast_in_dim3A_117 = vector.broadcast %broadcast_in_dim3A_116 : vector<1x768xf32> to vector<18x768xf32>
    %select_n3A_118 = arith.select %broadcast_in_dim3A_115, %broadcast_in_dim3A_117, %select_n3A : vector<18x768xi1>, vector<18x768xf32>
    %mul3A_119 = arith.mulf %select_n3A_118, %select_n3A_118 : vector<18x768xf32>
    %reduce_sum3A = arith.constant dense<0.000000e+00> : vector<18xf32>
    %reduce_sum3A_120 = vector.multi_reduction <add>, %mul3A_119, %reduce_sum3A [1] : vector<18x768xf32> to vector<18xf32>
    %broadcast_in_dim3A_121 = vector.shape_cast %reduce_sum3A_120 : vector<18xf32> to vector<18x1xf32>
    %sqrt3A = math.sqrt %broadcast_in_dim3A_121 : vector<18x1xf32>
    %add3A_122 = arith.constant 9.99999993E-9 : f32
    %add3A_123 = vector.broadcast %add3A_122 : f32 to vector<18x1xf32>
    %add3A_124 = arith.addf %sqrt3A, %add3A_123 : vector<18x1xf32>
    %div3A = vector.broadcast %add3A_124 : vector<18x1xf32> to vector<18x768xf32>
    %div3A_125 = arith.divf %select_n3A_118, %div3A : vector<18x768xf32>
    %dot_general3A = arith.constant dense<0.000000e+00> : vector<18x18xf32>
    %dot_general3A_126 = tpu.matmul %div3A_125, %div3A_125, %dot_general3A {dimension_numbers = #tpu.dot_dimension_numbers<[1], [1], [0], [0], [0, 0, 1, 0], [], []>, transpose_lhs_hint = false} : vector<18x768xf32>, vector<18x768xf32>, vector<18x18xf32> -> vector<18x18xf32>
    %broadcast_in_dim3A_127 = vector.shape_cast %dot_general3A_126 : vector<18x18xf32> to vector<1x18x18xf32>
    %swap3A = arith.constant 0 : index
    %swap3A_128 = arith.constant 0 : index
    %swap3A_129 = arith.constant 0 : index
    %swap3A_130 = vector.load %arg5[%swap3A, %swap3A_128, %swap3A_129] : memref<1x18x18xf32, #tpu.memory_space<vmem>>, vector<1x18x18xf32>
    tpu.vector_store %arg5[%swap3A, %swap3A_128, %swap3A_129], %broadcast_in_dim3A_127 {strides = array<i32>} : memref<1x18x18xf32, #tpu.memory_space<vmem>>, vector<1x18x18xf32>,
    %reduce_sum3A_131 = arith.constant dense<0.000000e+00> : vector<768xf32>
    %reduce_sum3A_132 = vector.multi_reduction <add>, %select_n3A_118, %reduce_sum3A_131 [0] : vector<18x768xf32> to vector<768xf32>
    %broadcast_in_dim3A_133 = vector.shape_cast %reduce_sum3A_132 : vector<768xf32> to vector<1x768xf32>
    %mul3A_134 = arith.constant 0.055555556 : f32
    %mul3A_135 = vector.broadcast %mul3A_134 : f32 to vector<1x768xf32>
    %mul3A_136 = arith.mulf %broadcast_in_dim3A_133, %mul3A_135 : vector<1x768xf32>
    %swap3A_137 = arith.constant 0 : index
    %swap3A_138 = arith.constant 0 : index
    %swap3A_139 = vector.load %arg4[%swap3A_137, %swap3A_138] : memref<1x768xf32, #tpu.memory_space<vmem>>, vector<1x768xf32>
    tpu.vector_store %arg4[%swap3A_137, %swap3A_138], %mul3A_136 {strides = array<i32>} : memref<1x768xf32, #tpu.memory_space<vmem>>, vector<1x768xf32>,
    return
  }
}

</mosaic_0001>

<sc_bundles>
// kernel: kernel.5.cloned.1.call-start
scs
__scs_entry_jumppad:
0x0: {  	(pc) =	sbr.rel $0x88, $3  }
0x1: {  	(tag) =	ssettag $0x0;
	lr =	simm.s32 $0x1  }
0x2: {  	[smem:$0x3F9D] =	sst lr;
	_ =	strace $0xD0000000  }
0x3: {  	_ = 	snop  }
0x4: {  	_ = 	snop  }
0x5: {  	_ = 	snop  }
0x6: {  	_ = 	snop  }
0x7: {  	_ = 	snop  }
__scs_overlays_trampoline_lowered:
0x8: {  	[smem:$0x3FAC] =	sst s0  }
0x9: {  	[smem:$0x3FAD] =	sst s1  }
0xa: {  	[smem:$0x3FAE] =	sst s2  }
0xb: {  	[smem:$0x3FAF] =	sst s3  }
0xc: {  	[smem:$0x3FB0] =	sst s4  }
0xd: {  	[smem:$0x3FB1] =	sst s5  }
0xe: {  	[smem:$0x3FB2] =	sst s6  }
0xf: {  	[smem:$0x3FB3] =	sst s7  }
0x10: {  	[smem:$0x3FB4] =	sst s8  }
0x11: {  	[smem:$0x3FB5] =	sst s9;
	s0 =	simm.s32 @!p0 $0x0  }
0x12: {  	s1 =	sld [smem:$0x3F9B];
	s0 =	simm.s32 @p0 $0x1  }
0x13: {  	[smem:$0x3FB6] =	sst s0;
	s0 =	simm.s32 @!p1 $0x0  }
0x14: {  	s2 =	sld [smem:$0x3F9A];
	s0 =	simm.s32 @p1 $0x1  }
0x15: {  	[smem:$0x3FB7] =	sst s0;
	s0 =	simm.s32 @!p2 $0x0  }
0x16: {  	s3 =	sld [smem:$0x3FDB];
	s0 =	simm.s32 @p2 $0x1  }
0x17: {  	s4 =	simm.s32 $0x1BF5;
	[smem:$0x3FB9] =	sst s0  }
0x18: {  	s0 =	sld [smem:$0x3F9C];
	_ =	swait.ge [sflag:s4], $0x0  }
0x19: {  	s7 =	sld [smem:$0x3F9D]  }
0x1a: {  	s8 =	sadd.s32 $0xFFFFE003, lr  }
0x1b: {  	s9 =	sadd.s32 $0xFFFFFEF7, lr;
	s5 =	simm.s32 $0xFFFFFFFF;
	p2 =	slt.u32 s8, $0xFFFFF086  }
0x1c: {  	p1 =	slt.u32 s9, $0xF7A;
	s5 =	simm.s32 @!p2 $0x0  }
0x1d: {  	s5 =	simm.s32 @p1 $0x1;
	p0 =	seq.s32 s7, s2  }
0x1e: {  	s7 =	smul.u32 @!p0 $0xF7A, s2;
	p2 =	seq.s32 @!p0 s5, $0x0  }
0x1f: {  	s9 =	smul.u32 $0xF7A, s1;
	s8 =	simm.s32 @!p0 $0x1BF5;
	p2 =	por !p2, p0  }
0x20: {  	[sflag:s8] =	ssyncset.s32 @!p0 $0xFFFFF086;
	s6 =	sadd.s32 @!p0 s3, s7;
	s7 =	simm.s32 @!p0 $0x108  }
0x21: {  	s3 =	sadd.s32 s3, s9;
	s6 =	sadd.s32 @!p0 $0x88, s6;
	s7 =	simm.s32 @p2 $0x1082  }
0x22: {  	[simem:s7], [sflag:s8] =	dma.local @!p0 [hbm:s6], $0xF7A  }
0x23: {  	s9 =	sor.u32 $0xD0000000, s2;
	s6 =	simm.s32 $0x108;
	_ =	swait.ge @!p0 [sflag:s8], $0x0  }
0x24: {  	s3 =	sadd.s32 $0x88, s3;
	s6 =	simm.s32 @!p1 $0x1082;
	[sflag:s4] =	ssyncset.s32 $0xFFFFF086  }
0x25: {  	[simem:s6], [sflag:s4] =	dma.local [hbm:s3], $0xF7A  }
0x26: {  	[smem:$0x3F9D] =	sst s1;
	(tag) =	ssettag s2;
	_ =	strace s9  }
0x27: {  	s1 =	sld [smem:$0x3FAD]  }
0x28: {  	s2 =	sld [smem:$0x3FAE]  }
0x29: {  	s4 =	sld [smem:$0x3FB0]  }
0x2a: {  	p0 =	seq.s32 s5, $0x0;
	s5 =	sld [smem:$0x3FB1]  }
0x2b: {  	s6 =	sld [smem:$0x3FB2]  }
0x2c: {  	s7 =	sld [smem:$0x3FB3]  }
0x2d: {  	s3 =	simm.s32 $0x108;
	s8 =	sld [smem:$0x3FB4]  }
0x2e: {  	s3 =	simm.s32 @!p0 $0x1082;
	s9 =	sld [smem:$0x3FB5]  }
0x2f: {  	lr =	sadd.s32 s0, s3;
	s0 =	sld [smem:$0x3FAC]  }
0x30: {  	s3 =	sld [smem:$0x3FAF]  }
0x31: {  	[smem:$0x3FB8] =	sst s10  }
0x32: {  	s10 =	sld [smem:$0x3FB6];
	_ =	sdelay $0x3  }
0x33: {  	p0 =	seq.s32 s10, $0x1;
	s10 =	sld [smem:$0x3FB8];
	_ =	sdelay $0x3  }
0x34: {  	[smem:$0x3FB8] =	sst s10  }
0x35: {  	s10 =	sld [smem:$0x3FB7];
	_ =	sdelay $0x3  }
0x36: {  	p1 =	seq.s32 s10, $0x1;
	s10 =	sld [smem:$0x3FB8];
	_ =	sdelay $0x3  }
0x37: {  	[smem:$0x3FB8] =	sst s10  }
0x38: {  	s10 =	sld [smem:$0x3FB9]  }
0x39: {  	_ = 	snop;
	(pc) =	sbr.ind lr, $3  }
0x3a: {  	_ = 	snop  }
0x3b: {  	_ = 	snop  }
0x3c: {  	p2 =	seq.s32 s10, $0x1;
	s10 =	sld [smem:$0x3FB8]  }
0x3d: {  	_ =	shalt  }
0x3e: {  	_ =	shalt  }
0x3f: {  	_ =	shalt  }
0x40: {  	_ =	shalt  }
0x41: {  	_ =	shalt  }
0x42: {  	_ =	shalt  }
0x43: {  	_ =	shalt  }
0x44: {  	_ =	shalt  }
0x45: {  	_ =	shalt  }
0x46: {  	_ =	shalt  }
0x47: {  	_ =	shalt  }
0x48: {  	_ =	shalt  }
0x49: {  	_ =	shalt  }
0x4a: {  	_ =	shalt  }
0x4b: {  	_ =	shalt  }
0x4c: {  	_ =	shalt  }
0x4d: {  	_ =	shalt  }
0x4e: {  	_ =	shalt  }
0x4f: {  	_ =	shalt  }
0x50: {  	_ =	shalt  }
0x51: {  	_ =	shalt  }
0x52: {  	_ =	shalt  }
0x53: {  	_ =	shalt  }
0x54: {  	_ =	shalt  }
0x55: {  	_ =	shalt  }
0x56: {  	_ =	shalt  }
0x57: {  	_ =	shalt  }
0x58: {  	_ =	shalt  }
0x59: {  	_ =	shalt  }
0x5a: {  	_ =	shalt  }
0x5b: {  	_ =	shalt  }
0x5c: {  	_ =	shalt  }
0x5d: {  	_ =	shalt  }
0x5e: {  	_ =	shalt  }
0x5f: {  	_ =	shalt  }
0x60: {  	_ =	shalt  }
0x61: {  	_ =	shalt  }
0x62: {  	_ =	shalt  }
0x63: {  	_ =	shalt  }
0x64: {  	_ =	shalt  }
0x65: {  	_ =	shalt  }
0x66: {  	_ =	shalt  }
0x67: {  	_ =	shalt  }
0x68: {  	_ =	shalt  }
0x69: {  	_ =	shalt  }
0x6a: {  	_ =	shalt  }
0x6b: {  	_ =	shalt  }
0x6c: {  	_ =	shalt  }
0x6d: {  	_ =	shalt  }
0x6e: {  	_ =	shalt  }
0x6f: {  	_ =	shalt  }
0x70: {  	_ =	shalt  }
0x71: {  	_ =	shalt  }
0x72: {  	_ =	shalt  }
0x73: {  	_ =	shalt  }
0x74: {  	_ =	shalt  }
0x75: {  	_ =	shalt  }
0x76: {  	_ =	shalt  }
0x77: {  	_ =	shalt  }
0x78: {  	_ =	shalt  }
0x79: {  	_ =	shalt  }
0x7a: {  	_ =	shalt  }
0x7b: {  	_ =	shalt  }
0x7c: {  	_ =	shalt  }
0x7d: {  	_ =	shalt  }
0x7e: {  	_ =	shalt  }
0x7f: {  	_ =	shalt  }
0x80: {  	_ =	shalt  }
0x81: {  	_ =	shalt  }
0x82: {  	_ =	shalt  }
0x83: {  	_ =	shalt  }
0x84: {  	_ =	shalt  }
0x85: {  	_ =	shalt  }
0x86: {  	_ =	shalt  }
0x87: {  	_ =	shalt  }
.Lfunc_end0:
.L_simem_size_0:
called_computation_lowered:
.L_overlay_start_0:
0x88: {  	s2 =	sld [smem:$0x3FD9]  }
0x89: {  	s3 =	sld [smem:$0x3FFE];
	_ =	sdelay $0x1  }
0x8a: {  	s1 =	srdreg.scid  }
0x8b: {  	s0 =	sand.u32 $0x1, s1  }
0x8c: {  	s17 =	sshll.u32 s0, $0xA;
	s2 =	sadd.s32 s3, s2  }
0x8d: {  	s2 =	sadd.s32 s2, s17  }
0x8e: {  	[smem:$0x3FC4] =	sst s2  }
0x8f: {  	_ = 	snop  }
0x90: {  	s2 =	sld [smem:$0x3FC9];
	(tm) =	ssettm $0x1  }
0x91: {  	s18 =	sld [smem:$0x3FFB];
	_ =	sdelay $0x3  }
0x92: {  	_ =	strace s18  }
0x93: {  	s3 =	sld [smem:$0x3FFC];
	_ =	sdelay $0x3  }
0x94: {  	_ =	strace s3  }
0x95: {  	s3 =	sld [smem:$0x3FFD];
	_ =	sdelay $0x3  }
0x96: {  	_ =	strace s3  }
0x97: {  	_ =	strace $0x8FFFFFFF  }
0x98: {  	s19 =	sld [smem:$0x3FDB];
	_ =	sdelay $0x1  }
0x99: {  	s4 =	simm.s32 $_scs_section_size  }
0x9a: {  	s5 =	simm.s32 $_size__tile_overlayer_lowered;
	s6 =	simm.s32 $_tile_overlayer_lowered  }
0x9b: {  	s22 =	simm.s32 $0x1BFF;
	s21 =	sshll.u32 s6, $0x1;
	s3 =	sadd.s32 s4, s19  }
0x9c: {  	s7 =	simm.s32 $0x0;
	s20 =	sshll.u32 s5, $0x1;
	s5 =	sadd.s32 s21, s3  }
0x9d: {  	[timem:s7], [sflag:s22] =	dma.local [hbm:s5], s20  }
0x9e: {  	_ =	swait.ge [sflag:s22], s20  }
0x9f: {  	s4 =	ssub.s32 $0x0, s20;
	[sflag:s22] =	ssyncset.done $0x0  }
0xa0: {  	[sflag:s22] =	ssyncadd.s32 s4;
	_ =	sdelay $0x1  }
0xa1: {  	s23 =	simm.s32 $0x1B8B  }
0xa2: {  	_ =	swait.ge [sflag:s23], $0x1  }
0xa3: {  	[sflag:s23] =	ssyncset.done $0x0  }
0xa4: {  	s25 =	simm.s32 $0x1B8E;
	s24 =	sld [smem:$0x3FFE];
	[sflag:s23] =	ssyncadd.s32 $0xFFFFFFFF  }
0xa5: {  	s26 =	simm.s32 $execute0_lowered;
	[smem:$0x3FD2] =	sst s25  }
0xa6: {  	s5 =	sshll.u32 s26, $0x1;
	_ =	strace $0x80000046;
	[dreg:$0x1] =	wrdreg $0xFFFFFFFF  }
0xa7: {  	s28 =	simm.s32 $_size_execute0_lowered;
	s3 =	sadd.s32 s3, s5;
	[dreg:$0x0] =	wrdreg $0x0  }
0xa8: {  	s5 =	sshll.u32 s28, $0x1;
	[dreg:$0x2] =	wrdreg s3  }
0xa9: {  	[dreg:$0x3] =	wrdreg s5  }
0xaa: {  	[dreg:$0x4] =	wrdreg $0xC0  }
0xab: {  	_ =	task [dreg:s7], $0x5FFFF  }
0xac: {  	[dreg:$0x1] =	wrdreg $0xFFFFFFFF  }
0xad: {  	[dreg:$0x0] =	wrdreg $0x60  }
0xae: {  	[dreg:$0x2] =	wrdreg s2  }
0xaf: {  	[dreg:$0x3] =	wrdreg s24  }
0xb0: {  	[dreg:$0x4] =	wrdreg $0x9  }
0xb1: {  	_ =	task.clear_ibuf [dreg:s7], $0x5FFFF;
	_ =	strace $0x90000046  }
0xb2: {  	s29 =	simm.s32 $0x9;
	_ =	strace $0x80000048  }
0xb3: {  	_ =	swait.ge [sflag:s29], $0x1  }
0xb4: {  	[sflag:s29] =	ssyncadd.s32 $0xFFFFFFFF  }
0xb5: {  	_ =	strace $0x90000048  }
0xb6: {  	_ =	sfence  }
0xb7: {  	s30 =	sld [smem:$0x0];
	_ =	sdelay $0x2  }
0xb8: {  	s31 =	sshll.u32 s1, $0xD;
	s1 =	sshrl.u32 s1, $0x2  }
0xb9: {  	s3 =	sand.u32 $0x4000, s31;
	s1 =	sadd.s32 s1, s30  }
0xba: {  	s0 =	sor.u32 s3, s0;
	s1 =	sshll.u32 s1, $0x11  }
0xbb: {  	s0 =	sor.u32 s1, s0  }
0xbc: {  	s0 =	sadd.s32 $0x8F2B, s0  }
0xbd: {  	[sflag:s0] =	ssyncadd.remote.s32 $0x1  }
0xbe: {  	_ =	sfence.sel $0xFFFF  }
0xbf: {  	[dreg:$0x0] =	wrdreg $0xFFFFFFFF;
	(pc) =	sbr.abs _section_cstart, $3  }
0xc0: {  	[dreg:$0x1] =	wrdreg $0xFFFFFFFF  }
0xc1: {  	_ =	task.clear_ibuf [dreg:s7], $0x2FFFF;
	_ =	strace $0x9FFFFFFF  }
0xc2: {  	(tm) =	ssettm $0x7FFFFFFF  }
0xc3: {  	_ =	shalt  }
tec
execute0_lowered:
.L_overlay_start_1:
0x0: {  	(tag) =	ssettag $0x1  }
0x1: {  	s1 =	srdreg.scid;
	s4 =	rddreg [dreg:$0x0]  }
0x2: {  	s0 =	stileid.u32;
	s5 =	rddreg [dreg:$0x1]  }
0x3: {  	s2 =	simm.s32 $0x0;
	s3 =	sand.u32 $0x1, s1;
	s29 =	sshll.u32 s0, $0x1  }
0x4: {  	s10 =	simm.s32 $0x3000;
	s11 =	simm.s32 $0x4800;
	s6 =	sor.u32 s3, s29  }
0x5: {  	s12 =	simm.s32 $0x1;
	s13 =	simm.s32 $0x6000;
	s7 =	smul.u32 $0x60, s6  }
0x6: {  	s14 =	simm.s32 $0x2;
	s3 =	ssub.s32 $0x2, s3;
	s8 =	smul.u32 $0x6000, s6  }
0x7: {  	[smem:$0x7FF] =	sst s2;
	s6 =	smul.u32 $0xC00, s6;
	s30 =	sshrl.u32 s3, $0x1  }
0x8: {  	s15 =	simm.s32 $0x0;
	_ =	strace $0x80000047;
	s9 =	ssub.s32 s3, s30  }
0x9: {  	s7 =	sadd.s32 s7, s5;
	s8 =	sshrl.u32 s8, $0x3;
	s3 =	sadd.s32 s4, s6  }
0xa: {  	s31 =	sadd.s32 s4, s8;
	s4 =	sadd.s32 $0x300, s3;
	s7 =	sadd.s32 $0xE00, s7  }
0xb: {  	s8 =	smax.u32 s9, $0x1;
	s5 =	sadd.s32 $0x600, s31;
	s6 =	sadd.s32 $0x900, s31  }
.LBB2_1:
0xc: {  	[tilespmem:s2], [sflag:$0x1] =	stream.linear.gather [hbm4b:s3+s2], $0x1800, $0x38;
	[tilespmem:$0x6300] =	vst v63  }
0xd: {  	s0 =	simm.s32 $0x1800  }
0xe: {  	[tilespmem:s0], [sflag:$0x1] =	stream.linear.gather [hbm4b:s4+s2], $0x1800, $0x38;
	[tilespmem:$0x6300] =	vst v63  }
0xf: {  	_ = 	snop  }
0x10: {  	[tilespmem:s10], [sflag:$0x1] =	stream.linear.gather [hbm4b:s5+s2], $0x1800, $0x38;
	[tilespmem:$0x6300] =	vst v63  }
0x11: {  	_ = 	snop  }
0x12: {  	[tilespmem:s11], [sflag:$0x1] =	stream.linear.gather [hbm4b:s6+s2], $0x1800, $0x38;
	[tilespmem:$0x6300] =	vst v63  }
0x13: {  	_ =	swait.ge [sflag:s12], $0x1800  }
0x14: {  	s16 =	sand.u32 $0x60, s2;
	s17 =	sand.u32 $0x1C00, s2;
	[sflag:s12] =	ssyncset.done $0x0  }
0x15: {  	s18 =	sor.u32 s16, s17;
	[sflag:s12] =	ssyncadd.s32 $0xFFFFE800  }
0x16: {  	v0 =	vld [tilespmem:s18+$0x380]  }
0x17: {  	v1 =	vld [tilespmem:s18+$0x80]  }
0x18: {  	v2 =	vld [tilespmem:s18+$0x280]  }
0x19: {  	v3 =	vld [tilespmem:s18+$0x100]  }
0x1a: {  	v4 =	vld [tilespmem:s18+$0x300]  }
0x1b: {  	v5 =	vld [tilespmem:s18+$0x200]  }
0x1c: {  	v6 =	vld [tilespmem:s18+$0x180]  }
0x1d: {  	v7 =	vld [tilespmem:s18+$0x0];
	_ =	sdelay $0x3  }
0x1e: {  	v0 =	vadd.f32 v0, v4;
	v2 =	vadd.f32 v2, v5  }
0x1f: {  	v3 =	vadd.f32 v6, v3;
	v1 =	vadd.f32 v1, v7;
	_ =	sdelay $0x1  }
0x20: {  	v1 =	vadd.f32 v3, v1;
	v0 =	vadd.f32 v0, v2;
	_ =	sdelay $0x1  }
0x21: {  	v0 =	vadd.f32 v0, v1  }
0x22: {  	s16 =	sor.u32 $0x10, s16  }
0x23: {  	s22 =	sor.u32 s16, s17;
	[tilespmem:s13+$0x0] =	vst v0  }
0x24: {  	v0 =	vld [tilespmem:s22+$0x380]  }
0x25: {  	v1 =	vld [tilespmem:s22+$0x80]  }
0x26: {  	s19 =	simm.s32 $0x6020;
	s20 =	simm.s32 $0x0;
	v3 =	vld [tilespmem:s22+$0x0]  }
0x27: {  	s21 =	simm.s32 $0x0;
	s17 =	simm.s32 $0x0;
	s18 =	simm.s32 $0x0;
	v2 =	vld [tilespmem:s22+$0x180]  }
.LBB2_2:
0x28: {  	s18 =	sadd.s32 $0x2, s18;
	v4 =	vld [tilespmem:s22+$0x300];
	s20 =	sadd.s32 $0x100, s20;
	s21 =	sadd.s32 $0x20, s21  }
0x29: {  	p0 =	slt.u32 s18, $0x2E;
	v5 =	vld [tilespmem:s22+$0x280]  }
0x2a: {  	v6 =	vld [tilespmem:s22+$0x100]  }
0x2b: {  	v7 =	vld [tilespmem:s22+$0x200];
	v1 =	vadd.f32 v1, v3;
	_ =	sdelay $0x2  }
0x2c: {  	v0 =	vadd.f32 v0, v4  }
0x2d: {  	v2 =	vadd.f32 v2, v6  }
0x2e: {  	v3 =	vadd.f32 v5, v7  }
0x2f: {  	v1 =	vadd.f32 v2, v1  }
0x30: {  	v0 =	vadd.f32 v0, v3  }
0x31: {  	s22 =	sand.u32 $0x380, s17;
	s17 =	smov.u32 s21  }
0x32: {  	s22 =	sor.u32 s16, s22;
	v0 =	vadd.f32 v0, v1  }
0x33: {  	s23 =	sand.u32 $0x1C00, s20;
	s16 =	sand.u32 $0x60, s21  }
0x34: {  	s24 =	sor.u32 s16, s23;
	s16 =	sor.u32 $0x10, s16;
	[tilespmem:s22+$0x6000] =	vst v0  }
0x35: {  	v0 =	vld [tilespmem:s24+$0x380]  }
0x36: {  	v1 =	vld [tilespmem:s24+$0x80]  }
0x37: {  	v2 =	vld [tilespmem:s24+$0x280]  }
0x38: {  	v3 =	vld [tilespmem:s24+$0x100]  }
0x39: {  	v4 =	vld [tilespmem:s24+$0x300]  }
0x3a: {  	v5 =	vld [tilespmem:s24+$0x200]  }
0x3b: {  	v6 =	vld [tilespmem:s24+$0x180]  }
0x3c: {  	v7 =	vld [tilespmem:s24+$0x0];
	_ =	sdelay $0x1  }
0x3d: {  	v0 =	vadd.f32 v0, v4  }
0x3e: {  	v2 =	vadd.f32 v2, v5  }
0x3f: {  	v3 =	vadd.f32 v6, v3  }
0x40: {  	v1 =	vadd.f32 v1, v7;
	_ =	sdelay $0x1  }
0x41: {  	v0 =	vadd.f32 v0, v2;
	v1 =	vadd.f32 v3, v1;
	_ =	sdelay $0x1  }
0x42: {  	v0 =	vadd.f32 v0, v1;
	_ =	sdelay $0x1  }
.Ltmp0:
0x43: {  	s22 =	sor.u32 s16, s23;
	[tilespmem:s19+$0x0] =	vst v0;
	(pc) =	sbr.rel @p0 .LBB2_2-.Ltmp0, $4  }
0x44: {  	v0 =	vld [tilespmem:s22+$0x380]  }
0x45: {  	v1 =	vld [tilespmem:s22+$0x80]  }
0x46: {  	v3 =	vld [tilespmem:s22+$0x0]  }
0x47: {  	s19 =	sadd.s32 $0x20, s19;
	v2 =	vld [tilespmem:s22+$0x180]  }
0x48: {  	v4 =	vld [tilespmem:s22+$0x300]  }
0x49: {  	v5 =	vld [tilespmem:s22+$0x280]  }
0x4a: {  	v6 =	vld [tilespmem:s22+$0x100]  }
0x4b: {  	v7 =	vld [tilespmem:s22+$0x200];
	_ =	sdelay $0x3  }
0x4c: {  	v1 =	vadd.f32 v1, v3;
	v0 =	vadd.f32 v0, v4  }
0x4d: {  	v2 =	vadd.f32 v2, v6;
	v3 =	vadd.f32 v5, v7;
	_ =	sdelay $0x1  }
0x4e: {  	v1 =	vadd.f32 v2, v1;
	v0 =	vadd.f32 v0, v3;
	_ =	sdelay $0x1  }
0x4f: {  	s17 =	sand.u32 $0x380, s17;
	v0 =	vadd.f32 v0, v1  }
0x50: {  	s16 =	sor.u32 s16, s17  }
0x51: {  	[tilespmem:s16+$0x6000] =	vst v0;
	s16 =	simm.s32 $0x0  }
0x52: {  	_ =	swait.ge [sflag:s12], $0x1800;
	s29 =	sand.u32 $0x1C00, s16  }
0x53: {  	s18 =	sand.u32 $0x60, s16;
	[sflag:s12] =	ssyncset.done $0x0;
	s19 =	sadd.s32 $0x1800, s29  }
0x54: {  	s20 =	sadd.s32 $0x1880, s29;
	[sflag:s12] =	ssyncadd.s32 $0xFFFFE800;
	s21 =	sor.u32 s18, s19  }
0x55: {  	s23 =	sadd.s32 $0x1A80, s29;
	s30 =	sor.u32 s18, s20;
	v0 =	vld [tilespmem:s21+$0x0]  }
0x56: {  	s24 =	sadd.s32 $0x1B00, s29;
	s0 =	sor.u32 s18, s23;
	v1 =	vld [tilespmem:s30+$0x0]  }
0x57: {  	s25 =	sadd.s32 $0x1980, s29;
	s1 =	sor.u32 s18, s24;
	v3 =	vld [tilespmem:s0+$0x0]  }
0x58: {  	s26 =	sadd.s32 $0x1B80, s29;
	s28 =	sor.u32 s18, s25;
	v4 =	vld [tilespmem:s1+$0x0]  }
0x59: {  	s9 =	sor.u32 s18, s26;
	s21 =	sadd.s32 $0x1900, s29;
	v5 =	vld [tilespmem:s28+$0x0]  }
0x5a: {  	s29 =	sadd.s32 $0x1A00, s29;
	v62 =	vld [tilespmem:s9+$0x0];
	s31 =	sor.u32 s18, s21  }
0x5b: {  	s17 =	sor.u32 s18, s29;
	v2 =	vld [tilespmem:s31+$0x0]  }
0x5c: {  	v63 =	vld [tilespmem:s17+$0x0];
	_ =	sdelay $0x3  }
0x5d: {  	v0 =	vadd.f32 v1, v0;
	v1 =	vadd.f32 v5, v2  }
0x5e: {  	v2 =	vadd.f32 v62, v4;
	v3 =	vadd.f32 v3, v63;
	_ =	sdelay $0x1  }
0x5f: {  	v0 =	vadd.f32 v1, v0;
	v1 =	vadd.f32 v2, v3;
	_ =	sdelay $0x1  }
0x60: {  	v0 =	vadd.f32 v1, v0  }
0x61: {  	s22 =	simm.s32 $0x6000;
	s18 =	sor.u32 $0x10, s18  }
0x62: {  	s28 =	sor.u32 s18, s26;
	[tilespmem:s22+$0x0] =	vst.add.f32.msk $0xffff, v0  }
0x63: {  	s30 =	sand.u32 $0x380, s16;
	s17 =	simm.s32 $0x0;
	s25 =	sor.u32 s18, s25;
	v1 =	vld [tilespmem:s28+$0x0]  }
0x64: {  	s19 =	sor.u32 s18, s19;
	s31 =	sor.u32 s18, s23;
	s21 =	sor.u32 s18, s21;
	v0 =	vld [tilespmem:s25+$0x0]  }
0x65: {  	s23 =	sor.u32 s18, s29;
	s24 =	sor.u32 s18, s24;
	s22 =	sor.u32 s18, s20;
	v2 =	vld [tilespmem:s31+$0x0]  }
0x66: {  	s20 =	sor.u32 s18, s30;
	s18 =	simm.s32 $0x6020;
	v3 =	vld [tilespmem:s19+$0x0];
	s19 =	simm.s32 $0x0  }
.LBB2_4:
0x67: {  	s17 =	sadd.s32 $0x2, s17;
	v4 =	vld [tilespmem:s24+$0x0];
	s16 =	sadd.s32 $0x100, s16;
	s19 =	sadd.s32 $0x20, s19  }
0x68: {  	p0 =	slt.u32 s17, $0x2E;
	v5 =	vld [tilespmem:s22+$0x0]  }
0x69: {  	v6 =	vld [tilespmem:s23+$0x0]  }
0x6a: {  	v7 =	vld [tilespmem:s21+$0x0];
	_ =	sdelay $0x1  }
0x6b: {  	v1 =	vadd.f32 v1, v4  }
0x6c: {  	v3 =	vadd.f32 v5, v3  }
0x6d: {  	v2 =	vadd.f32 v2, v6  }
0x6e: {  	v0 =	vadd.f32 v0, v7  }
0x6f: {  	v1 =	vadd.f32 v1, v2  }
0x70: {  	v0 =	vadd.f32 v0, v3;
	_ =	sdelay $0x1  }
0x71: {  	s20 =	sor.u32 $0x6000, s20;
	s22 =	sand.u32 $0x1C00, s16;
	s21 =	sand.u32 $0x60, s19;
	v0 =	vadd.f32 v1, v0  }
0x72: {  	s23 =	sadd.s32 $0x1800, s22;
	s24 =	sadd.s32 $0x1880, s22;
	s25 =	sadd.s32 $0x1B80, s22  }
0x73: {  	s29 =	sadd.s32 $0x1980, s22;
	s26 =	sor.u32 s21, s23;
	s28 =	sor.u32 s21, s24;
	[tilespmem:s20+$0x0] =	vst.add.f32.msk $0xffff, v0  }
0x74: {  	s30 =	sor.u32 s21, s25;
	s20 =	sadd.s32 $0x1900, s22;
	v0 =	vld [tilespmem:s26+$0x0];
	s26 =	sor.u32 s21, s29  }
0x75: {  	s31 =	sadd.s32 $0x1A00, s22;
	s1 =	sadd.s32 $0x1A80, s22;
	v1 =	vld [tilespmem:s28+$0x0];
	s28 =	sor.u32 s21, s20  }
0x76: {  	s9 =	sadd.s32 $0x1B00, s22;
	s0 =	sor.u32 s21, s1;
	v2 =	vld [tilespmem:s28+$0x0];
	s28 =	sor.u32 s21, s31  }
0x77: {  	v3 =	vld [tilespmem:s0+$0x0];
	s0 =	sor.u32 s21, s9  }
0x78: {  	v4 =	vld [tilespmem:s0+$0x0]  }
0x79: {  	v5 =	vld [tilespmem:s26+$0x0]  }
0x7a: {  	v6 =	vld [tilespmem:s30+$0x0];
	v0 =	vadd.f32 v1, v0  }
0x7b: {  	v1 =	vld [tilespmem:s28+$0x0];
	_ =	sdelay $0x2  }
0x7c: {  	v2 =	vadd.f32 v5, v2  }
0x7d: {  	v4 =	vadd.f32 v6, v4  }
0x7e: {  	v1 =	vadd.f32 v3, v1;
	v0 =	vadd.f32 v2, v0;
	_ =	sdelay $0x1  }
0x7f: {  	v1 =	vadd.f32 v4, v1;
	_ =	sdelay $0x1  }
0x80: {  	v0 =	vadd.f32 v1, v0  }
0x81: {  	s0 =	sor.u32 $0x10, s21;
	s26 =	sand.u32 $0x380, s19  }
.Ltmp1:
0x82: {  	s28 =	sor.u32 s0, s23;
	s23 =	sor.u32 s0, s25;
	[tilespmem:s18+$0x0] =	vst.add.f32.msk $0xffff, v0;
	(pc) =	sbr.rel @p0 .LBB2_4-.Ltmp1, $4  }
0x83: {  	s22 =	sor.u32 s0, s24;
	s21 =	sor.u32 s0, s20;
	s20 =	sor.u32 s0, s29;
	v1 =	vld [tilespmem:s23+$0x0]  }
0x84: {  	s1 =	sor.u32 s0, s1;
	s23 =	sor.u32 s0, s31;
	v0 =	vld [tilespmem:s20+$0x0];
	s20 =	sor.u32 s0, s26  }
0x85: {  	v2 =	vld [tilespmem:s1+$0x0]  }
0x86: {  	s24 =	sor.u32 s0, s9;
	s18 =	sadd.s32 $0x20, s18;
	v3 =	vld [tilespmem:s28+$0x0]  }
0x87: {  	v4 =	vld [tilespmem:s24+$0x0]  }
0x88: {  	v5 =	vld [tilespmem:s22+$0x0]  }
0x89: {  	v6 =	vld [tilespmem:s23+$0x0]  }
0x8a: {  	v7 =	vld [tilespmem:s21+$0x0];
	_ =	sdelay $0x3  }
0x8b: {  	v1 =	vadd.f32 v1, v4;
	v3 =	vadd.f32 v5, v3  }
0x8c: {  	v2 =	vadd.f32 v2, v6;
	v0 =	vadd.f32 v0, v7;
	_ =	sdelay $0x1  }
0x8d: {  	v1 =	vadd.f32 v1, v2;
	v0 =	vadd.f32 v0, v3;
	_ =	sdelay $0x1  }
0x8e: {  	v0 =	vadd.f32 v1, v0  }
0x8f: {  	s0 =	sor.u32 $0x6000, s20  }
0x90: {  	s16 =	simm.s32 $0x0;
	[tilespmem:s0+$0x0] =	vst.add.f32.msk $0xffff, v0  }
0x91: {  	s22 =	sand.u32 $0x1C00, s16;
	_ =	swait.ge [sflag:s12], $0x1800  }
0x92: {  	s1 =	sand.u32 $0x60, s16;
	s9 =	sadd.s32 $0x3000, s22;
	[sflag:s12] =	ssyncset.done $0x0  }
0x93: {  	s18 =	sadd.s32 $0x3080, s22;
	s17 =	sor.u32 s1, s9;
	[sflag:s12] =	ssyncadd.s32 $0xFFFFE800  }
0x94: {  	s20 =	sadd.s32 $0x3100, s22;
	s19 =	sor.u32 s1, s18;
	v0 =	vld [tilespmem:s17+$0x0]  }
0x95: {  	s24 =	sadd.s32 $0x3300, s22;
	s29 =	sor.u32 s1, s20;
	v1 =	vld [tilespmem:s19+$0x0]  }
0x96: {  	s31 =	sadd.s32 $0x3180, s22;
	s23 =	sor.u32 s1, s24;
	v2 =	vld [tilespmem:s29+$0x0]  }
0x97: {  	s25 =	sadd.s32 $0x3380, s22;
	s26 =	sor.u32 s1, s31;
	v4 =	vld [tilespmem:s23+$0x0]  }
0x98: {  	s28 =	sor.u32 s1, s25;
	s0 =	sadd.s32 $0x3200, s22;
	v5 =	vld [tilespmem:s26+$0x0]  }
0x99: {  	s19 =	sadd.s32 $0x3280, s22;
	s29 =	sor.u32 s1, s0;
	v62 =	vld [tilespmem:s28+$0x0]  }
0x9a: {  	s30 =	sor.u32 s1, s19;
	v63 =	vld [tilespmem:s29+$0x0]  }
0x9b: {  	v3 =	vld [tilespmem:s30+$0x0];
	_ =	sdelay $0x3  }
0x9c: {  	v0 =	vadd.f32 v1, v0;
	v1 =	vadd.f32 v5, v2  }
0x9d: {  	v2 =	vadd.f32 v62, v4;
	v3 =	vadd.f32 v3, v63;
	_ =	sdelay $0x1  }
0x9e: {  	v0 =	vadd.f32 v1, v0;
	v1 =	vadd.f32 v2, v3;
	_ =	sdelay $0x1  }
0x9f: {  	v0 =	vadd.f32 v1, v0  }
0xa0: {  	s1 =	sor.u32 $0x10, s1;
	s30 =	simm.s32 $0x6000  }
0xa1: {  	s22 =	sor.u32 s1, s25;
	[tilespmem:s30+$0x0] =	vst.add.f32.msk $0xffff, v0  }
0xa2: {  	s17 =	simm.s32 $0x0;
	s25 =	sand.u32 $0x380, s16;
	s21 =	sor.u32 s1, s31;
	v1 =	vld [tilespmem:s22+$0x0]  }
0xa3: {  	s9 =	sor.u32 s1, s9;
	s31 =	sor.u32 s1, s19;
	s23 =	sor.u32 s1, s0;
	v0 =	vld [tilespmem:s21+$0x0]  }
0xa4: {  	s24 =	sor.u32 s1, s24;
	s19 =	simm.s32 $0x0;
	s22 =	sor.u32 s1, s18;
	v2 =	vld [tilespmem:s31+$0x0]  }
0xa5: {  	s21 =	sor.u32 s1, s20;
	s20 =	sor.u32 s1, s25;
	v3 =	vld [tilespmem:s9+$0x0];
	s18 =	simm.s32 $0x6020  }
.LBB2_6:
0xa6: {  	s17 =	sadd.s32 $0x2, s17;
	v4 =	vld [tilespmem:s24+$0x0];
	s16 =	sadd.s32 $0x100, s16;
	s19 =	sadd.s32 $0x20, s19  }
0xa7: {  	p0 =	slt.u32 s17, $0x2E;
	v5 =	vld [tilespmem:s22+$0x0]  }
0xa8: {  	v6 =	vld [tilespmem:s23+$0x0]  }
0xa9: {  	v7 =	vld [tilespmem:s21+$0x0];
	_ =	sdelay $0x1  }
0xaa: {  	v1 =	vadd.f32 v1, v4  }
0xab: {  	v3 =	vadd.f32 v5, v3  }
0xac: {  	v2 =	vadd.f32 v2, v6  }
0xad: {  	v0 =	vadd.f32 v0, v7  }
0xae: {  	v1 =	vadd.f32 v1, v2  }
0xaf: {  	v0 =	vadd.f32 v0, v3;
	_ =	sdelay $0x1  }
0xb0: {  	s9 =	sor.u32 $0x6000, s20;
	s0 =	sand.u32 $0x60, s19;
	s1 =	sand.u32 $0x1C00, s16;
	v0 =	vadd.f32 v1, v0  }
0xb1: {  	s20 =	sadd.s32 $0x3000, s1;
	s22 =	sadd.s32 $0x3380, s1;
	s21 =	sadd.s32 $0x3080, s1  }
0xb2: {  	s25 =	sadd.s32 $0x3180, s1;
	s23 =	sor.u32 s0, s20;
	s24 =	sor.u32 s0, s21;
	[tilespmem:s9+$0x0] =	vst.add.f32.msk $0xffff, v0  }
0xb3: {  	s26 =	sor.u32 s0, s22;
	s9 =	sadd.s32 $0x3100, s1;
	v0 =	vld [tilespmem:s23+$0x0];
	s23 =	sor.u32 s0, s25  }
0xb4: {  	s28 =	sadd.s32 $0x3200, s1;
	s29 =	sadd.s32 $0x3280, s1;
	v1 =	vld [tilespmem:s24+$0x0];
	s24 =	sor.u32 s0, s9  }
0xb5: {  	s30 =	sor.u32 s0, s29;
	s1 =	sadd.s32 $0x3300, s1;
	v2 =	vld [tilespmem:s24+$0x0];
	s24 =	sor.u32 s0, s28  }
0xb6: {  	v3 =	vld [tilespmem:s30+$0x0];
	s30 =	sor.u32 s0, s1  }
0xb7: {  	v4 =	vld [tilespmem:s30+$0x0]  }
0xb8: {  	v5 =	vld [tilespmem:s23+$0x0]  }
0xb9: {  	v6 =	vld [tilespmem:s26+$0x0];
	v0 =	vadd.f32 v1, v0  }
0xba: {  	v1 =	vld [tilespmem:s24+$0x0];
	_ =	sdelay $0x2  }
0xbb: {  	v2 =	vadd.f32 v5, v2  }
0xbc: {  	v4 =	vadd.f32 v6, v4  }
0xbd: {  	v1 =	vadd.f32 v3, v1;
	v0 =	vadd.f32 v2, v0;
	_ =	sdelay $0x1  }
0xbe: {  	v1 =	vadd.f32 v4, v1;
	_ =	sdelay $0x1  }
0xbf: {  	v0 =	vadd.f32 v1, v0  }
0xc0: {  	s0 =	sor.u32 $0x10, s0;
	s24 =	sand.u32 $0x380, s19  }
.Ltmp2:
0xc1: {  	s26 =	sor.u32 s0, s20;
	s20 =	sor.u32 s0, s22;
	[tilespmem:s18+$0x0] =	vst.add.f32.msk $0xffff, v0;
	(pc) =	sbr.rel @p0 .LBB2_6-.Ltmp2, $4  }
0xc2: {  	s22 =	sor.u32 s0, s21;
	s21 =	sor.u32 s0, s9;
	s9 =	sor.u32 s0, s25;
	v1 =	vld [tilespmem:s20+$0x0]  }
0xc3: {  	s23 =	sor.u32 s0, s28;
	s20 =	sor.u32 s0, s24;
	v0 =	vld [tilespmem:s9+$0x0];
	s9 =	sor.u32 s0, s29  }
0xc4: {  	v2 =	vld [tilespmem:s9+$0x0]  }
0xc5: {  	s18 =	sadd.s32 $0x20, s18;
	s24 =	sor.u32 s0, s1;
	v3 =	vld [tilespmem:s26+$0x0]  }
0xc6: {  	v4 =	vld [tilespmem:s24+$0x0]  }
0xc7: {  	v5 =	vld [tilespmem:s22+$0x0]  }
0xc8: {  	v6 =	vld [tilespmem:s23+$0x0]  }
0xc9: {  	v7 =	vld [tilespmem:s21+$0x0];
	_ =	sdelay $0x3  }
0xca: {  	v1 =	vadd.f32 v1, v4;
	v3 =	vadd.f32 v5, v3  }
0xcb: {  	v2 =	vadd.f32 v2, v6;
	v0 =	vadd.f32 v0, v7;
	_ =	sdelay $0x1  }
0xcc: {  	v1 =	vadd.f32 v1, v2;
	v0 =	vadd.f32 v0, v3;
	_ =	sdelay $0x1  }
0xcd: {  	v0 =	vadd.f32 v1, v0  }
0xce: {  	s0 =	sor.u32 $0x6000, s20  }
0xcf: {  	s16 =	simm.s32 $0x0;
	[tilespmem:s0+$0x0] =	vst.add.f32.msk $0xffff, v0  }
0xd0: {  	s22 =	sand.u32 $0x1C00, s16;
	_ =	swait.ge [sflag:s12], $0x1800  }
0xd1: {  	s1 =	sand.u32 $0x60, s16;
	s9 =	sadd.s32 $0x4800, s22;
	[sflag:s12] =	ssyncset.done $0x0  }
0xd2: {  	s18 =	sadd.s32 $0x4880, s22;
	s17 =	sor.u32 s1, s9;
	[sflag:s12] =	ssyncadd.s32 $0xFFFFE800  }
0xd3: {  	s20 =	sadd.s32 $0x4900, s22;
	s19 =	sor.u32 s1, s18;
	v0 =	vld [tilespmem:s17+$0x0]  }
0xd4: {  	s24 =	sadd.s32 $0x4B00, s22;
	s29 =	sor.u32 s1, s20;
	v1 =	vld [tilespmem:s19+$0x0]  }
0xd5: {  	s31 =	sadd.s32 $0x4980, s22;
	s23 =	sor.u32 s1, s24;
	v2 =	vld [tilespmem:s29+$0x0]  }
0xd6: {  	s25 =	sadd.s32 $0x4B80, s22;
	s26 =	sor.u32 s1, s31;
	v4 =	vld [tilespmem:s23+$0x0]  }
0xd7: {  	s28 =	sor.u32 s1, s25;
	s0 =	sadd.s32 $0x4A00, s22;
	v5 =	vld [tilespmem:s26+$0x0]  }
0xd8: {  	s19 =	sadd.s32 $0x4A80, s22;
	s29 =	sor.u32 s1, s0;
	v62 =	vld [tilespmem:s28+$0x0]  }
0xd9: {  	s30 =	sor.u32 s1, s19;
	v63 =	vld [tilespmem:s29+$0x0]  }
0xda: {  	v3 =	vld [tilespmem:s30+$0x0];
	_ =	sdelay $0x3  }
0xdb: {  	v0 =	vadd.f32 v1, v0;
	v1 =	vadd.f32 v5, v2  }
0xdc: {  	v2 =	vadd.f32 v62, v4;
	v3 =	vadd.f32 v3, v63;
	_ =	sdelay $0x1  }
0xdd: {  	v0 =	vadd.f32 v1, v0;
	v1 =	vadd.f32 v2, v3;
	_ =	sdelay $0x1  }
0xde: {  	v0 =	vadd.f32 v1, v0  }
0xdf: {  	s1 =	sor.u32 $0x10, s1;
	s30 =	simm.s32 $0x6000  }
0xe0: {  	s22 =	sor.u32 s1, s25;
	[tilespmem:s30+$0x0] =	vst.add.f32.msk $0xffff, v0  }
0xe1: {  	s17 =	simm.s32 $0x0;
	s25 =	sand.u32 $0x380, s16;
	s21 =	sor.u32 s1, s31;
	v1 =	vld [tilespmem:s22+$0x0]  }
0xe2: {  	s9 =	sor.u32 s1, s9;
	s31 =	sor.u32 s1, s19;
	s23 =	sor.u32 s1, s0;
	v0 =	vld [tilespmem:s21+$0x0]  }
0xe3: {  	s24 =	sor.u32 s1, s24;
	s19 =	simm.s32 $0x0;
	s22 =	sor.u32 s1, s18;
	v2 =	vld [tilespmem:s31+$0x0]  }
0xe4: {  	s21 =	sor.u32 s1, s20;
	s20 =	sor.u32 s1, s25;
	v3 =	vld [tilespmem:s9+$0x0];
	s18 =	simm.s32 $0x6020  }
.LBB2_8:
0xe5: {  	s17 =	sadd.s32 $0x2, s17;
	v4 =	vld [tilespmem:s24+$0x0];
	s16 =	sadd.s32 $0x100, s16;
	s19 =	sadd.s32 $0x20, s19  }
0xe6: {  	p0 =	slt.u32 s17, $0x2E;
	v5 =	vld [tilespmem:s22+$0x0]  }
0xe7: {  	v6 =	vld [tilespmem:s23+$0x0]  }
0xe8: {  	v7 =	vld [tilespmem:s21+$0x0];
	_ =	sdelay $0x1  }
0xe9: {  	v1 =	vadd.f32 v1, v4  }
0xea: {  	v3 =	vadd.f32 v5, v3  }
0xeb: {  	v2 =	vadd.f32 v2, v6  }
0xec: {  	v0 =	vadd.f32 v0, v7  }
0xed: {  	v1 =	vadd.f32 v1, v2  }
0xee: {  	v0 =	vadd.f32 v0, v3;
	_ =	sdelay $0x1  }
0xef: {  	s9 =	sor.u32 $0x6000, s20;
	s0 =	sand.u32 $0x60, s19;
	s1 =	sand.u32 $0x1C00, s16;
	v0 =	vadd.f32 v1, v0  }
0xf0: {  	s20 =	sadd.s32 $0x4800, s1;
	s22 =	sadd.s32 $0x4B80, s1;
	s21 =	sadd.s32 $0x4880, s1  }
0xf1: {  	s25 =	sadd.s32 $0x4980, s1;
	s23 =	sor.u32 s0, s20;
	s24 =	sor.u32 s0, s21;
	[tilespmem:s9+$0x0] =	vst.add.f32.msk $0xffff, v0  }
0xf2: {  	s26 =	sor.u32 s0, s22;
	s9 =	sadd.s32 $0x4900, s1;
	v0 =	vld [tilespmem:s23+$0x0];
	s23 =	sor.u32 s0, s25  }
0xf3: {  	s28 =	sadd.s32 $0x4A00, s1;
	s29 =	sadd.s32 $0x4A80, s1;
	v1 =	vld [tilespmem:s24+$0x0];
	s24 =	sor.u32 s0, s9  }
0xf4: {  	s30 =	sor.u32 s0, s29;
	s1 =	sadd.s32 $0x4B00, s1;
	v2 =	vld [tilespmem:s24+$0x0];
	s24 =	sor.u32 s0, s28  }
0xf5: {  	v3 =	vld [tilespmem:s30+$0x0];
	s30 =	sor.u32 s0, s1  }
0xf6: {  	v4 =	vld [tilespmem:s30+$0x0]  }
0xf7: {  	v5 =	vld [tilespmem:s23+$0x0]  }
0xf8: {  	v6 =	vld [tilespmem:s26+$0x0];
	v0 =	vadd.f32 v1, v0  }
0xf9: {  	v1 =	vld [tilespmem:s24+$0x0];
	_ =	sdelay $0x2  }
0xfa: {  	v2 =	vadd.f32 v5, v2  }
0xfb: {  	v4 =	vadd.f32 v6, v4  }
0xfc: {  	v1 =	vadd.f32 v3, v1;
	v0 =	vadd.f32 v2, v0;
	_ =	sdelay $0x1  }
0xfd: {  	v1 =	vadd.f32 v4, v1;
	_ =	sdelay $0x1  }
0xfe: {  	v0 =	vadd.f32 v1, v0  }
0xff: {  	s0 =	sor.u32 $0x10, s0;
	s24 =	sand.u32 $0x380, s19  }
.Ltmp3:
0x100: {  	s26 =	sor.u32 s0, s20;
	s20 =	sor.u32 s0, s22;
	[tilespmem:s18+$0x0] =	vst.add.f32.msk $0xffff, v0;
	(pc) =	sbr.rel @p0 .LBB2_8-.Ltmp3, $4  }
0x101: {  	s22 =	sor.u32 s0, s21;
	s21 =	sor.u32 s0, s9;
	s9 =	sor.u32 s0, s25;
	v1 =	vld [tilespmem:s20+$0x0]  }
0x102: {  	s23 =	sor.u32 s0, s28;
	s20 =	sor.u32 s0, s24;
	v0 =	vld [tilespmem:s9+$0x0];
	s9 =	sor.u32 s0, s29  }
0x103: {  	v2 =	vld [tilespmem:s9+$0x0]  }
0x104: {  	s18 =	sadd.s32 $0x20, s18;
	s24 =	sor.u32 s0, s1;
	v3 =	vld [tilespmem:s26+$0x0]  }
0x105: {  	v4 =	vld [tilespmem:s24+$0x0]  }
0x106: {  	v5 =	vld [tilespmem:s22+$0x0]  }
0x107: {  	v6 =	vld [tilespmem:s23+$0x0]  }
0x108: {  	v7 =	vld [tilespmem:s21+$0x0];
	_ =	sdelay $0x3  }
0x109: {  	v1 =	vadd.f32 v1, v4;
	v3 =	vadd.f32 v5, v3  }
0x10a: {  	v2 =	vadd.f32 v2, v6;
	v0 =	vadd.f32 v0, v7;
	_ =	sdelay $0x1  }
0x10b: {  	v1 =	vadd.f32 v1, v2;
	v0 =	vadd.f32 v0, v3;
	_ =	sdelay $0x1  }
0x10c: {  	s15 =	sadd.s32 $0x1, s15;
	v0 =	vadd.f32 v1, v0  }
0x10d: {  	s0 =	sor.u32 $0x6000, s20;
	p0 =	sne.s32 s15, s8  }
.Ltmp4:
0x10e: {  	[tilespmem:s0+$0x0] =	vst.add.f32.msk $0xffff, v0;
	(pc) =	sbr.rel @p0 .LBB2_1-.Ltmp4, $4  }
0x10f: {  	[hbm4b:s7+s2] =	stream.linear.scatter [tilespmem:s13], [sflag:$0x2], $0x300, $0x38;
	[tilespmem:$0x6300] =	vst v63  }
0x110: {  	_ =	swait.ge [sflag:s14], $0x300  }
0x111: {  	[sflag:s14] =	ssyncset.done $0x0  }
0x112: {  	[sflag:s14] =	ssyncadd.s32 $0xFFFFFD00  }
0x113: {  	_ =	sfence.sel $0x180000  }
0x114: {  	[bflag:$0x0] =	sbarrier.arrive $0xFFFF  }
0x115: {  	_ =	strace $0x90000047  }
0x116: {  	s0 =	stileid.u32;
	[bflag:$0x2] =	sbarrier.arrive $0xFFFF  }
0x117: {  	p0 =	sne.s32 s0, $0x0;
	s0 =	rddreg [dreg:$0x2]  }
0x118: {  	s0 =	sadd.s32 @!p0 $0x100000, s0  }
0x119: {  	[sflag:s0] =	ssyncadd.tile.s32 @!p0 $0x1;
	_ =	shalt  }
.Lfunc_end2:
_tile_overlayer_lowered:
.L_overlay_start_2:
0x11a: {  	(tag) =	ssettag $0x2  }
0x11b: {  	s0 =	rddreg [dreg:$0x0];
	s2 =	stileid.u32  }
0x11c: {  	s1 =	rddreg [dreg:$0x1];
	p0 =	sne.s32 s2, $0x0  }
0x11d: {  	s3 =	rddreg [dreg:$0x2];
	[bflag:$0x3] =	sbarrier.arrive $0xFFFF;
	s2 =	simm.s32 @!p0 $0x1C02  }
0x11e: {  	[timem:s3], [sflag:s2] =	dma.local @!p0 [hbm:s0], s1  }
0x11f: {  	s0 =	simm.s32 @!p0 $0x2  }
0x120: {  	_ =	swait.ge @!p0 [sflag:s0], s1  }
0x121: {  	s1 =	ssub.s32 @!p0 $0x0, s1;
	[sflag:s0] =	ssyncset.done @!p0 $0x0  }
0x122: {  	[sflag:s0] =	ssyncadd.s32 @!p0 s1  }
0x123: {  	[bflag:$0x3] =	sbarrier.arrive $0xFFFF  }
0x124: {  	_ =	shalt  }

</sc_bundles>
